<compile_context>
chip_gen: v7x
topology: tpu7x:2x2x1
jax: 0.10.2.dev20260603
libtpu: 0.0.44.dev20260713+nightly
codegen_flags: <defaults>
</compile_context>

<pallas_src>
import functools

import jax
import jax.numpy as jnp
from jax import lax
from jax.experimental import pallas as pl
from jax.experimental.pallas import tpu as pltpu
from jax.experimental.pallas import tpu_sc as plsc

_B, _N, _L, _H, _QH = 64, 576, 128, 2048, 1024
_K = 100
_KPAD = 128
_BQ = 8
_INV_SQRT2 = 0.7071067811865476


def _qfeat_body(lang_ref, valid_ref, wq_ref, bq_ref, qf_ref):
    rows = []
    for r in range(_BQ):
        v = valid_ref[r]
        d = jnp.maximum(jnp.sum(v), 1.0)
        qg = lax.dot_general(v, lang_ref[r], (((1,), (0,)), ((), ())),
                             preferred_element_type=jnp.float32) / d
        rows.append(qg)
    qg8 = jnp.concatenate(rows, axis=0)
    qf_ref[...] = lax.dot_general(qg8, wq_ref[...], (((1,), (1,)), ((), ())),
                                  preferred_element_type=jnp.float32) + bq_ref[...]


def _qfeat_call(lang, valid, wq, bq):
    return pl.pallas_call(
        _qfeat_body,
        grid=(_B // _BQ,),
        in_specs=[
            pl.BlockSpec((_BQ, _L, _H), lambda g: (g, 0, 0)),
            pl.BlockSpec((_BQ, 1, _L), lambda g: (g, 0, 0)),
            pl.BlockSpec((_QH, _H), lambda g: (0, 0)),
            pl.BlockSpec((1, _QH), lambda g: (0, 0)),
        ],
        out_specs=pl.BlockSpec((_BQ, _QH), lambda g: (g, 0)),
        out_shape=jax.ShapeDtypeStruct((_B, _QH), jnp.float32),
    )(lang, valid, wq, bq)


def _score_topk_body(img_ref, qf_ref, wv_ref, ws_ref, bv_ref, idx_ref):
    b = pl.program_id(0)
    img = img_ref[0]
    qf = qf_ref[0]

    vf = lax.dot_general(img, wv_ref[...], (((1,), (1,)), ((), ())),
                         preferred_element_type=jnp.float32) + bv_ref[...]
    h = jnp.tanh(vf + qf)
    g = h * 0.5 * (1.0 + lax.erf(h * _INV_SQRT2))
    s_col = lax.dot_general(g, ws_ref[...], (((1,), (1,)), ((), ())),
                            preferred_element_type=jnp.float32)

    ii = lax.broadcasted_iota(jnp.int32, (_N, _N), 0)
    jj = lax.broadcasted_iota(jnp.int32, (_N, _N), 1)
    ident = (ii == jj).astype(jnp.float32)
    s_row = lax.dot_general(s_col, ident, (((0,), (0,)), ((), ())),
                            preferred_element_type=jnp.float32)
    ones_1n = jnp.ones((1, _N), jnp.float32)
    s_mat = lax.dot_general(s_col, ones_1n, (((1,), (0,)), ((), ())),
                            preferred_element_type=jnp.float32)

    beats = (s_row > s_mat) | ((s_row == s_mat) & (jj < ii))
    rank = jnp.sum(beats.astype(jnp.float32), axis=1, keepdims=True)

    ones_1k = jnp.ones((1, _KPAD), jnp.float32)
    rank_mat = lax.dot_general(rank, ones_1k, (((1,), (0,)), ((), ())),
                               preferred_element_type=jnp.float32)
    flat_i = (lax.broadcasted_iota(jnp.int32, (_N, 1), 0)
              + b * _N).astype(jnp.float32)
    flat_mat = lax.dot_general(flat_i, ones_1k, (((1,), (0,)), ((), ())),
                               preferred_element_type=jnp.float32)
    p_row = lax.broadcasted_iota(jnp.int32, (1, _KPAD), 1).astype(jnp.float32)
    sel = (rank_mat == p_row).astype(jnp.float32)
    idx = jnp.sum(sel * flat_mat, axis=0, keepdims=True)
    idx_ref[0] = idx.astype(jnp.int32)


def _score_topk_call(img, qf, wv, ws, bv):
    return pl.pallas_call(
        _score_topk_body,
        grid=(_B,),
        in_specs=[
            pl.BlockSpec((1, _N, _H), lambda b: (b, 0, 0)),
            pl.BlockSpec((1, 1, _QH), lambda b: (b, 0, 0)),
            pl.BlockSpec((_QH, _H), lambda b: (0, 0)),
            pl.BlockSpec((1, _QH), lambda b: (0, 0)),
            pl.BlockSpec((1, _QH), lambda b: (0, 0)),
        ],
        out_specs=pl.BlockSpec((1, 1, _KPAD), lambda b: (b, 0, 0)),
        out_shape=jax.ShapeDtypeStruct((_B, 1, _KPAD), jnp.int32),
    )(img, qf, wv, ws, bv)



_NW = 32
_BPW = _B // _NW
_KP8 = 104
_IPW = _BPW * _KP8
_CH = 24
_CHUNKS = ((0, 24), (24, 24), (48, 24), (72, 24), (96, 8))


@functools.cache
def _gather_rows_kernel():

    @functools.partial(
        pl.kernel,
        out_type=jax.ShapeDtypeStruct((_B, _KP8, _H), jnp.float32),
        mesh=plsc.VectorSubcoreMesh(core_axis_name="c", subcore_axis_name="s"),
        scratch_types=[
            pltpu.VMEM((_IPW,), jnp.int32),
            pltpu.VMEM((_CH, _H), jnp.float32),
            pltpu.VMEM((_CH, _H), jnp.float32),
            pltpu.SemaphoreType.DMA,
            pltpu.SemaphoreType.DMA,
            pltpu.SemaphoreType.DMA,
            pltpu.SemaphoreType.DMA,
        ],
    )
    def _gather_rows(img_hbm, idx_hbm, out_hbm,
                     idx_v, buf0, buf1, g0, g1, w0, w1):
        table = img_hbm.reshape(_B * _N, _H)
        wid = lax.axis_index("s") * 2 + lax.axis_index("c")
        pltpu.sync_copy(idx_hbm.at[pl.ds(wid * _IPW, _IPW)], idx_v)
        bufs, gsems, wsems = (buf0, buf1), (g0, g1), (w0, w1)
        wh = [None, None]
        transfers = [(r, k0, ln) for r in range(_BPW) for k0, ln in _CHUNKS]
        for i, (r, k0, ln) in enumerate(transfers):
            bi = i & 1
            if wh[bi] is not None:
                wh[bi].wait()
            dst = bufs[bi].at[pl.ds(0, ln)]
            pltpu.async_copy(
                table.at[idx_v.at[pl.ds(r * _KP8 + k0, ln)]], dst, gsems[bi]
            ).wait()
            wh[bi] = pltpu.async_copy(
                dst, out_hbm.at[wid * _BPW + r, pl.ds(k0, ln)], wsems[bi])
        for h in wh:
            h.wait()

    return _gather_rows


def kernel(img_tokens, lang_tokens, lang_mask, Wq, bq, Wv, bv, Ws, bs):
    valid = (~lang_mask[:, 0, 0, :]).astype(jnp.float32).reshape(_B, 1, _L)
    qf = _qfeat_call(lang_tokens, valid, Wq, bq.reshape(1, _QH))
    flat_idx = _score_topk_call(
        img_tokens, qf.reshape(_B, 1, _QH), Wv, Ws,
        bv.reshape(1, _QH))
    idx = flat_idx[:, 0, :_KP8].reshape(-1)
    sel_pad = _gather_rows_kernel()(img_tokens, idx)
    selected = sel_pad[:, :_K, :]
    sel_mask = jnp.zeros((_B, 1, 1, _K), dtype=bool)
    return (selected, sel_mask)

# --- scband reference (transcript-rebuilt; emitter-appended) ---
"""Pipeline reference for scband-question-guided-top-kselector-54150947668710 (READ-ONLY COPY).

The authoritative reference and input builder live on the scoring server;
editing this copy changes nothing except your own understanding.
"""

import jax, jax.numpy as jnp
import numpy as np

B, N, L, H, QH, QG_TOPK = 64, 576, 128, 2048, 1024, 100

def setup_inputs(seed: int = 0) -> dict:
    key = jax.random.key(seed)
    ks = jax.random.split(key, 8)
    img_tokens = jax.random.normal(ks[0], (B, N, H), dtype=jnp.float32)
    lang_tokens = jax.random.normal(ks[1], (B, L, H), dtype=jnp.float32)
    lang_mask = jax.random.randint(ks[2], (B, 1, 1, L), 0, 2).astype(bool)
    Wq = (jax.random.normal(ks[3], (QH, H), dtype=jnp.float32) * 0.02)
    bq = jnp.zeros((QH,), dtype=jnp.float32)
    Wv = (jax.random.normal(ks[4], (QH, H), dtype=jnp.float32) * 0.02)
    bv = jnp.zeros((QH,), dtype=jnp.float32)
    Ws = (jax.random.normal(ks[5], (1, QH), dtype=jnp.float32) * 0.02)
    bs = jnp.zeros((1,), dtype=jnp.float32)
    return {"img_tokens": img_tokens, "lang_tokens": lang_tokens, "lang_mask": lang_mask,
            "Wq": Wq, "bq": bq, "Wv": Wv, "bv": bv, "Ws": Ws, "bs": bs}

def reference(img_tokens, lang_tokens, lang_mask, Wq, bq, Wv, bv, Ws, bs):
    # valid lang positions: mask==True means masked-out
    valid = (~lang_mask[:, 0, 0, :]).astype(jnp.float32)            # [B, L]
    denom = jnp.clip(jnp.sum(valid, axis=1, keepdims=True), 1.0)     # [B, 1]
    q_global = jnp.sum(lang_tokens * valid[..., None], axis=1) / denom  # [B, H]
    q_feat = (q_global @ Wq.T + bq)[:, None, :]                      # [B, 1, QH]
    v_feat = img_tokens @ Wv.T + bv                                  # [B, N, QH]
    hdn = jnp.tanh(v_feat + q_feat)
    score = (jax.nn.gelu(hdn, approximate=False) @ Ws.T + bs)[..., 0]  # [B, N]
    bsz, n_token, hidden = img_tokens.shape
    k = min(QG_TOPK, n_token)
    _, topk_idx = jax.lax.top_k(score, k)                            # [B, k]
    selected = jnp.take_along_axis(img_tokens, topk_idx[..., None], axis=1)  # [B, k, H]
    sel_mask = jnp.zeros((bsz, 1, 1, k), dtype=bool)
    return (selected, sel_mask)

if __name__ == "__main__":
    import jax
    _d = setup_inputs()
    print(jax.jit(kernel)(*tuple(_d.values())))

</pallas_src>

<mosaic_0001>
#map = affine_map<(d0, d1) -> (0, 0, 0)>
#map1 = affine_map<(d0, d1) -> (0)>
module attributes {stable_mosaic.version = 14 : i64} {
  func.func @_gather_rows(%arg0: i32, %arg1: i32, %arg2: memref<64x576x2048xf32, #tpu.memory_space<hbm>>, %arg3: memref<6656xi32, #tpu.memory_space<hbm>>, %arg4: memref<64x104x2048xf32, #tpu.memory_space<hbm>>, %arg5: memref<208xi32, #tpu.memory_space<vmem>>, %arg6: memref<24x2048xf32, #tpu.memory_space<vmem>>, %arg7: memref<24x2048xf32, #tpu.memory_space<vmem>>, %arg8: memref<!tpu.dma_semaphore, #tpu.memory_space<semaphore_mem>>, %arg9: memref<!tpu.dma_semaphore, #tpu.memory_space<semaphore_mem>>, %arg10: memref<!tpu.dma_semaphore, #tpu.memory_space<semaphore_mem>>, %arg11: memref<!tpu.dma_semaphore, #tpu.memory_space<semaphore_mem>>) attributes {dimension_semantics = [#tpu.dimension_semantics<core_parallel>, #tpu.dimension_semantics<subcore_parallel>], iteration_bounds = array<i64: 2, 16>, scalar_prefetch = 0 : i64, scratch_operands = 7 : i64, tpu.core_type = #tpu.core_type<sc_vector_subcore>, window_params = [{transform_indices = #map}, {transform_indices = #map1}, {transform_indices = #map}]} {
    %mul3A = arith.constant 2 : i32
    %mul3A_0 = arith.muli %arg1, %mul3A : i32
    %add3A = arith.addi %mul3A_0, %arg0 : i32
    %mul3A_1 = arith.constant 208 : i32
    %mul3A_2 = arith.muli %add3A, %mul3A_1 : i32
    "tpu.region"() ({
      %run_scoped3A = tpu.sem_alloc : memref<!tpu.dma_semaphore, #tpu.memory_space<semaphore_mem>>
      %dma_start3A_501 = tpu.memref_slice %arg3[%mul3A_2] : memref<6656xi32, #tpu.memory_space<hbm>> -> memref<208xi32, #tpu.memory_space<hbm>>
      %dma_start3A_502 = tpu.memref_slice %arg3[%mul3A_2] : memref<6656xi32, #tpu.memory_space<hbm>> -> memref<208xi32, #tpu.memory_space<hbm>>
      tpu.enqueue_dma source(%dma_start3A_502 : memref<208xi32, #tpu.memory_space<hbm>>) target(%arg5 : memref<208xi32, #tpu.memory_space<vmem>>) target_semaphore(%run_scoped3A : memref<!tpu.dma_semaphore, #tpu.memory_space<semaphore_mem>>)
      %dma_wait3A_503 = tpu.memref_slice %arg3[%mul3A_2] : memref<6656xi32, #tpu.memory_space<hbm>> -> memref<208xi32, #tpu.memory_space<hbm>>
      %dma_wait3A_504 = tpu.memref_slice %arg3[%mul3A_2] : memref<6656xi32, #tpu.memory_space<hbm>> -> memref<208xi32, #tpu.memory_space<hbm>>
      tpu.wait_dma2 semaphore(%run_scoped3A : memref<!tpu.dma_semaphore, #tpu.memory_space<semaphore_mem>>) src(%dma_wait3A_504 : memref<208xi32, #tpu.memory_space<hbm>>) dst(%arg5 : memref<208xi32, #tpu.memory_space<vmem>>)
      tpu.yield
    }) : () -> ()
    %dma_start3A = arith.constant 0 : i32
    %dma_start3A_3 = arith.constant 0 : i32
    %dma_start3A_4 = tpu.memref_slice %arg6[%dma_start3A, %dma_start3A_3] : memref<24x2048xf32, #tpu.memory_space<vmem>> -> memref<24x2048xf32, #tpu.memory_space<vmem>>
    %dma_start3A_5 = arith.constant 0 : i32
    %dma_start3A_6 = tpu.memref_slice %arg5[%dma_start3A_5] : memref<208xi32, #tpu.memory_space<vmem>> -> memref<24xi32, #tpu.memory_space<vmem>>
    %dma_start3A_7 = tpu.memref_reshape %arg2 : memref<64x576x2048xf32, #tpu.memory_space<hbm>> -> memref<36864x2048xf32, #tpu.memory_space<hbm>>
    %dma_start3A_8 = arith.constant 0 : i32
    %dma_start3A_9 = arith.constant 0 : i32
    %dma_start3A_10 = tpu.memref_slice %dma_start3A_7[%dma_start3A_8, %dma_start3A_9] : memref<36864x2048xf32, #tpu.memory_space<hbm>> -> memref<36864x2048xf32, #tpu.memory_space<hbm>>
    tpu.enqueue_indirect_dma source(%dma_start3A_10 : memref<36864x2048xf32, #tpu.memory_space<hbm>>) target(%dma_start3A_4 : memref<24x2048xf32, #tpu.memory_space<vmem>>) offsets(%dma_start3A_6 : memref<24xi32, #tpu.memory_space<vmem>>) semaphore(%arg8 : memref<!tpu.dma_semaphore, #tpu.memory_space<semaphore_mem>>)
    %dma_wait3A = arith.constant 0 : i32
    %dma_wait3A_11 = arith.constant 0 : i32
    %dma_wait3A_12 = tpu.memref_slice %arg6[%dma_wait3A, %dma_wait3A_11] : memref<24x2048xf32, #tpu.memory_space<vmem>> -> memref<24x2048xf32, #tpu.memory_space<vmem>>
    %dma_wait3A_13 = arith.constant 0 : i32
    %dma_wait3A_14 = tpu.memref_slice %arg5[%dma_wait3A_13] : memref<208xi32, #tpu.memory_space<vmem>> -> memref<24xi32, #tpu.memory_space<vmem>>
    %dma_wait3A_15 = tpu.memref_reshape %arg2 : memref<64x576x2048xf32, #tpu.memory_space<hbm>> -> memref<36864x2048xf32, #tpu.memory_space<hbm>>
    %dma_wait3A_16 = arith.constant 0 : i32
    %dma_wait3A_17 = arith.constant 0 : i32
    %dma_wait3A_18 = tpu.memref_slice %dma_wait3A_15[%dma_wait3A_16, %dma_wait3A_17] : memref<36864x2048xf32, #tpu.memory_space<hbm>> -> memref<36864x2048xf32, #tpu.memory_space<hbm>>
    tpu.wait_indirect_dma semaphore(%arg8 : memref<!tpu.dma_semaphore, #tpu.memory_space<semaphore_mem>>) src(%dma_wait3A_18 : memref<36864x2048xf32, #tpu.memory_space<hbm>>) dst(%dma_wait3A_12 : memref<24x2048xf32, #tpu.memory_space<vmem>>)
    %mul3A_19 = arith.constant 2 : i32
    %mul3A_20 = arith.muli %add3A, %mul3A_19 : i32
    %add3A_21 = arith.constant 0 : i32
    %add3A_22 = arith.addi %mul3A_20, %add3A_21 : i32
    %dma_start3A_23 = arith.constant 0 : i32
    %dma_start3A_24 = arith.constant 0 : i32
    %dma_start3A_25 = tpu.memref_slice %arg6[%dma_start3A_23, %dma_start3A_24] : memref<24x2048xf32, #tpu.memory_space<vmem>> -> memref<24x2048xf32, #tpu.memory_space<vmem>>
    %dma_start3A_26 = arith.constant 0 : i32
    %dma_start3A_27 = arith.constant 0 : i32
    %dma_start3A_28 = tpu.memref_slice %arg4[%add3A_22, %dma_start3A_26, %dma_start3A_27] : memref<64x104x2048xf32, #tpu.memory_space<hbm>> -> memref<1x24x2048xf32, #tpu.memory_space<hbm>>
    %dma_start3A_29 = tpu.memref_squeeze %dma_start3A_28 : memref<1x24x2048xf32, #tpu.memory_space<hbm>> -> memref<24x2048xf32, #tpu.memory_space<hbm>>
    %dma_start3A_30 = arith.constant 0 : i32
    %dma_start3A_31 = arith.constant 0 : i32
    %dma_start3A_32 = tpu.memref_slice %arg4[%add3A_22, %dma_start3A_30, %dma_start3A_31] : memref<64x104x2048xf32, #tpu.memory_space<hbm>> -> memref<1x24x2048xf32, #tpu.memory_space<hbm>>
    %dma_start3A_33 = tpu.memref_squeeze %dma_start3A_32 : memref<1x24x2048xf32, #tpu.memory_space<hbm>> -> memref<24x2048xf32, #tpu.memory_space<hbm>>
    %dma_start3A_34 = arith.constant 0 : i32
    %dma_start3A_35 = arith.constant 0 : i32
    %dma_start3A_36 = tpu.memref_slice %arg6[%dma_start3A_34, %dma_start3A_35] : memref<24x2048xf32, #tpu.memory_space<vmem>> -> memref<24x2048xf32, #tpu.memory_space<vmem>>
    tpu.enqueue_dma source(%dma_start3A_36 : memref<24x2048xf32, #tpu.memory_space<vmem>>) target(%dma_start3A_33 : memref<24x2048xf32, #tpu.memory_space<hbm>>) target_semaphore(%arg10 : memref<!tpu.dma_semaphore, #tpu.memory_space<semaphore_mem>>)
    %dma_start3A_37 = arith.constant 0 : i32
    %dma_start3A_38 = arith.constant 0 : i32
    %dma_start3A_39 = tpu.memref_slice %arg7[%dma_start3A_37, %dma_start3A_38] : memref<24x2048xf32, #tpu.memory_space<vmem>> -> memref<24x2048xf32, #tpu.memory_space<vmem>>
    %dma_start3A_40 = arith.constant 24 : i32
    %dma_start3A_41 = tpu.memref_slice %arg5[%dma_start3A_40] : memref<208xi32, #tpu.memory_space<vmem>> -> memref<24xi32, #tpu.memory_space<vmem>>
    %dma_start3A_42 = tpu.memref_reshape %arg2 : memref<64x576x2048xf32, #tpu.memory_space<hbm>> -> memref<36864x2048xf32, #tpu.memory_space<hbm>>
    %dma_start3A_43 = arith.constant 0 : i32
    %dma_start3A_44 = arith.constant 0 : i32
    %dma_start3A_45 = tpu.memref_slice %dma_start3A_42[%dma_start3A_43, %dma_start3A_44] : memref<36864x2048xf32, #tpu.memory_space<hbm>> -> memref<36864x2048xf32, #tpu.memory_space<hbm>>
    tpu.enqueue_indirect_dma source(%dma_start3A_45 : memref<36864x2048xf32, #tpu.memory_space<hbm>>) target(%dma_start3A_39 : memref<24x2048xf32, #tpu.memory_space<vmem>>) offsets(%dma_start3A_41 : memref<24xi32, #tpu.memory_space<vmem>>) semaphore(%arg9 : memref<!tpu.dma_semaphore, #tpu.memory_space<semaphore_mem>>)
    %dma_wait3A_46 = arith.constant 0 : i32
    %dma_wait3A_47 = arith.constant 0 : i32
    %dma_wait3A_48 = tpu.memref_slice %arg7[%dma_wait3A_46, %dma_wait3A_47] : memref<24x2048xf32, #tpu.memory_space<vmem>> -> memref<24x2048xf32, #tpu.memory_space<vmem>>
    %dma_wait3A_49 = arith.constant 24 : i32
    %dma_wait3A_50 = tpu.memref_slice %arg5[%dma_wait3A_49] : memref<208xi32, #tpu.memory_space<vmem>> -> memref<24xi32, #tpu.memory_space<vmem>>
    %dma_wait3A_51 = tpu.memref_reshape %arg2 : memref<64x576x2048xf32, #tpu.memory_space<hbm>> -> memref<36864x2048xf32, #tpu.memory_space<hbm>>
    %dma_wait3A_52 = arith.constant 0 : i32
    %dma_wait3A_53 = arith.constant 0 : i32
    %dma_wait3A_54 = tpu.memref_slice %dma_wait3A_51[%dma_wait3A_52, %dma_wait3A_53] : memref<36864x2048xf32, #tpu.memory_space<hbm>> -> memref<36864x2048xf32, #tpu.memory_space<hbm>>
    tpu.wait_indirect_dma semaphore(%arg9 : memref<!tpu.dma_semaphore, #tpu.memory_space<semaphore_mem>>) src(%dma_wait3A_54 : memref<36864x2048xf32, #tpu.memory_space<hbm>>) dst(%dma_wait3A_48 : memref<24x2048xf32, #tpu.memory_space<vmem>>)
    %mul3A_55 = arith.constant 2 : i32
    %mul3A_56 = arith.muli %add3A, %mul3A_55 : i32
    %add3A_57 = arith.constant 0 : i32
    %add3A_58 = arith.addi %mul3A_56, %add3A_57 : i32
    %dma_start3A_59 = arith.constant 0 : i32
    %dma_start3A_60 = arith.constant 0 : i32
    %dma_start3A_61 = tpu.memref_slice %arg7[%dma_start3A_59, %dma_start3A_60] : memref<24x2048xf32, #tpu.memory_space<vmem>> -> memref<24x2048xf32, #tpu.memory_space<vmem>>
    %dma_start3A_62 = arith.constant 24 : i32
    %dma_start3A_63 = arith.constant 0 : i32
    %dma_start3A_64 = tpu.memref_slice %arg4[%add3A_58, %dma_start3A_62, %dma_start3A_63] : memref<64x104x2048xf32, #tpu.memory_space<hbm>> -> memref<1x24x2048xf32, #tpu.memory_space<hbm>>
    %dma_start3A_65 = tpu.memref_squeeze %dma_start3A_64 : memref<1x24x2048xf32, #tpu.memory_space<hbm>> -> memref<24x2048xf32, #tpu.memory_space<hbm>>
    %dma_start3A_66 = arith.constant 24 : i32
    %dma_start3A_67 = arith.constant 0 : i32
    %dma_start3A_68 = tpu.memref_slice %arg4[%add3A_58, %dma_start3A_66, %dma_start3A_67] : memref<64x104x2048xf32, #tpu.memory_space<hbm>> -> memref<1x24x2048xf32, #tpu.memory_space<hbm>>
    %dma_start3A_69 = tpu.memref_squeeze %dma_start3A_68 : memref<1x24x2048xf32, #tpu.memory_space<hbm>> -> memref<24x2048xf32, #tpu.memory_space<hbm>>
    %dma_start3A_70 = arith.constant 0 : i32
    %dma_start3A_71 = arith.constant 0 : i32
    %dma_start3A_72 = tpu.memref_slice %arg7[%dma_start3A_70, %dma_start3A_71] : memref<24x2048xf32, #tpu.memory_space<vmem>> -> memref<24x2048xf32, #tpu.memory_space<vmem>>
    tpu.enqueue_dma source(%dma_start3A_72 : memref<24x2048xf32, #tpu.memory_space<vmem>>) target(%dma_start3A_69 : memref<24x2048xf32, #tpu.memory_space<hbm>>) target_semaphore(%arg11 : memref<!tpu.dma_semaphore, #tpu.memory_space<semaphore_mem>>)
    %dma_wait3A_73 = arith.constant 0 : i32
    %dma_wait3A_74 = arith.constant 0 : i32
    %dma_wait3A_75 = tpu.memref_slice %arg6[%dma_wait3A_73, %dma_wait3A_74] : memref<24x2048xf32, #tpu.memory_space<vmem>> -> memref<24x2048xf32, #tpu.memory_space<vmem>>
    %dma_wait3A_76 = arith.constant 0 : i32
    %dma_wait3A_77 = arith.constant 0 : i32
    %dma_wait3A_78 = tpu.memref_slice %arg4[%add3A_22, %dma_wait3A_76, %dma_wait3A_77] : memref<64x104x2048xf32, #tpu.memory_space<hbm>> -> memref<1x24x2048xf32, #tpu.memory_space<hbm>>
    %dma_wait3A_79 = tpu.memref_squeeze %dma_wait3A_78 : memref<1x24x2048xf32, #tpu.memory_space<hbm>> -> memref<24x2048xf32, #tpu.memory_space<hbm>>
    %dma_wait3A_80 = arith.constant 0 : i32
    %dma_wait3A_81 = arith.constant 0 : i32
    %dma_wait3A_82 = tpu.memref_slice %arg4[%add3A_22, %dma_wait3A_80, %dma_wait3A_81] : memref<64x104x2048xf32, #tpu.memory_space<hbm>> -> memref<1x24x2048xf32, #tpu.memory_space<hbm>>
    %dma_wait3A_83 = tpu.memref_squeeze %dma_wait3A_82 : memref<1x24x2048xf32, #tpu.memory_space<hbm>> -> memref<24x2048xf32, #tpu.memory_space<hbm>>
    %dma_wait3A_84 = arith.constant 0 : i32
    %dma_wait3A_85 = arith.constant 0 : i32
    %dma_wait3A_86 = tpu.memref_slice %arg6[%dma_wait3A_84, %dma_wait3A_85] : memref<24x2048xf32, #tpu.memory_space<vmem>> -> memref<24x2048xf32, #tpu.memory_space<vmem>>
    tpu.wait_dma2 semaphore(%arg10 : memref<!tpu.dma_semaphore, #tpu.memory_space<semaphore_mem>>) src(%dma_wait3A_86 : memref<24x2048xf32, #tpu.memory_space<vmem>>) dst(%dma_wait3A_83 : memref<24x2048xf32, #tpu.memory_space<hbm>>)
    %dma_start3A_87 = arith.constant 0 : i32
    %dma_start3A_88 = arith.constant 0 : i32
    %dma_start3A_89 = tpu.memref_slice %arg6[%dma_start3A_87, %dma_start3A_88] : memref<24x2048xf32, #tpu.memory_space<vmem>> -> memref<24x2048xf32, #tpu.memory_space<vmem>>
    %dma_start3A_90 = arith.constant 48 : i32
    %dma_start3A_91 = tpu.memref_slice %arg5[%dma_start3A_90] : memref<208xi32, #tpu.memory_space<vmem>> -> memref<24xi32, #tpu.memory_space<vmem>>
    %dma_start3A_92 = tpu.memref_reshape %arg2 : memref<64x576x2048xf32, #tpu.memory_space<hbm>> -> memref<36864x2048xf32, #tpu.memory_space<hbm>>
    %dma_start3A_93 = arith.constant 0 : i32
    %dma_start3A_94 = arith.constant 0 : i32
    %dma_start3A_95 = tpu.memref_slice %dma_start3A_92[%dma_start3A_93, %dma_start3A_94] : memref<36864x2048xf32, #tpu.memory_space<hbm>> -> memref<36864x2048xf32, #tpu.memory_space<hbm>>
    tpu.enqueue_indirect_dma source(%dma_start3A_95 : memref<36864x2048xf32, #tpu.memory_space<hbm>>) target(%dma_start3A_89 : memref<24x2048xf32, #tpu.memory_space<vmem>>) offsets(%dma_start3A_91 : memref<24xi32, #tpu.memory_space<vmem>>) semaphore(%arg8 : memref<!tpu.dma_semaphore, #tpu.memory_space<semaphore_mem>>)
    %dma_wait3A_96 = arith.constant 0 : i32
    %dma_wait3A_97 = arith.constant 0 : i32
    %dma_wait3A_98 = tpu.memref_slice %arg6[%dma_wait3A_96, %dma_wait3A_97] : memref<24x2048xf32, #tpu.memory_space<vmem>> -> memref<24x2048xf32, #tpu.memory_space<vmem>>
    %dma_wait3A_99 = arith.constant 48 : i32
    %dma_wait3A_100 = tpu.memref_slice %arg5[%dma_wait3A_99] : memref<208xi32, #tpu.memory_space<vmem>> -> memref<24xi32, #tpu.memory_space<vmem>>
    %dma_wait3A_101 = tpu.memref_reshape %arg2 : memref<64x576x2048xf32, #tpu.memory_space<hbm>> -> memref<36864x2048xf32, #tpu.memory_space<hbm>>
    %dma_wait3A_102 = arith.constant 0 : i32
    %dma_wait3A_103 = arith.constant 0 : i32
    %dma_wait3A_104 = tpu.memref_slice %dma_wait3A_101[%dma_wait3A_102, %dma_wait3A_103] : memref<36864x2048xf32, #tpu.memory_space<hbm>> -> memref<36864x2048xf32, #tpu.memory_space<hbm>>
    tpu.wait_indirect_dma semaphore(%arg8 : memref<!tpu.dma_semaphore, #tpu.memory_space<semaphore_mem>>) src(%dma_wait3A_104 : memref<36864x2048xf32, #tpu.memory_space<hbm>>) dst(%dma_wait3A_98 : memref<24x2048xf32, #tpu.memory_space<vmem>>)
    %mul3A_105 = arith.constant 2 : i32
    %mul3A_106 = arith.muli %add3A, %mul3A_105 : i32
    %add3A_107 = arith.constant 0 : i32
    %add3A_108 = arith.addi %mul3A_106, %add3A_107 : i32
    %dma_start3A_109 = arith.constant 0 : i32
    %dma_start3A_110 = arith.constant 0 : i32
    %dma_start3A_111 = tpu.memref_slice %arg6[%dma_start3A_109, %dma_start3A_110] : memref<24x2048xf32, #tpu.memory_space<vmem>> -> memref<24x2048xf32, #tpu.memory_space<vmem>>
    %dma_start3A_112 = arith.constant 48 : i32
    %dma_start3A_113 = arith.constant 0 : i32
    %dma_start3A_114 = tpu.memref_slice %arg4[%add3A_108, %dma_start3A_112, %dma_start3A_113] : memref<64x104x2048xf32, #tpu.memory_space<hbm>> -> memref<1x24x2048xf32, #tpu.memory_space<hbm>>
    %dma_start3A_115 = tpu.memref_squeeze %dma_start3A_114 : memref<1x24x2048xf32, #tpu.memory_space<hbm>> -> memref<24x2048xf32, #tpu.memory_space<hbm>>
    %dma_start3A_116 = arith.constant 48 : i32
    %dma_start3A_117 = arith.constant 0 : i32
    %dma_start3A_118 = tpu.memref_slice %arg4[%add3A_108, %dma_start3A_116, %dma_start3A_117] : memref<64x104x2048xf32, #tpu.memory_space<hbm>> -> memref<1x24x2048xf32, #tpu.memory_space<hbm>>
    %dma_start3A_119 = tpu.memref_squeeze %dma_start3A_118 : memref<1x24x2048xf32, #tpu.memory_space<hbm>> -> memref<24x2048xf32, #tpu.memory_space<hbm>>
    %dma_start3A_120 = arith.constant 0 : i32
    %dma_start3A_121 = arith.constant 0 : i32
    %dma_start3A_122 = tpu.memref_slice %arg6[%dma_start3A_120, %dma_start3A_121] : memref<24x2048xf32, #tpu.memory_space<vmem>> -> memref<24x2048xf32, #tpu.memory_space<vmem>>
    tpu.enqueue_dma source(%dma_start3A_122 : memref<24x2048xf32, #tpu.memory_space<vmem>>) target(%dma_start3A_119 : memref<24x2048xf32, #tpu.memory_space<hbm>>) target_semaphore(%arg10 : memref<!tpu.dma_semaphore, #tpu.memory_space<semaphore_mem>>)
    %dma_wait3A_123 = arith.constant 0 : i32
    %dma_wait3A_124 = arith.constant 0 : i32
    %dma_wait3A_125 = tpu.memref_slice %arg7[%dma_wait3A_123, %dma_wait3A_124] : memref<24x2048xf32, #tpu.memory_space<vmem>> -> memref<24x2048xf32, #tpu.memory_space<vmem>>
    %dma_wait3A_126 = arith.constant 24 : i32
    %dma_wait3A_127 = arith.constant 0 : i32
    %dma_wait3A_128 = tpu.memref_slice %arg4[%add3A_58, %dma_wait3A_126, %dma_wait3A_127] : memref<64x104x2048xf32, #tpu.memory_space<hbm>> -> memref<1x24x2048xf32, #tpu.memory_space<hbm>>
    %dma_wait3A_129 = tpu.memref_squeeze %dma_wait3A_128 : memref<1x24x2048xf32, #tpu.memory_space<hbm>> -> memref<24x2048xf32, #tpu.memory_space<hbm>>
    %dma_wait3A_130 = arith.constant 24 : i32
    %dma_wait3A_131 = arith.constant 0 : i32
    %dma_wait3A_132 = tpu.memref_slice %arg4[%add3A_58, %dma_wait3A_130, %dma_wait3A_131] : memref<64x104x2048xf32, #tpu.memory_space<hbm>> -> memref<1x24x2048xf32, #tpu.memory_space<hbm>>
    %dma_wait3A_133 = tpu.memref_squeeze %dma_wait3A_132 : memref<1x24x2048xf32, #tpu.memory_space<hbm>> -> memref<24x2048xf32, #tpu.memory_space<hbm>>
    %dma_wait3A_134 = arith.constant 0 : i32
    %dma_wait3A_135 = arith.constant 0 : i32
    %dma_wait3A_136 = tpu.memref_slice %arg7[%dma_wait3A_134, %dma_wait3A_135] : memref<24x2048xf32, #tpu.memory_space<vmem>> -> memref<24x2048xf32, #tpu.memory_space<vmem>>
    tpu.wait_dma2 semaphore(%arg11 : memref<!tpu.dma_semaphore, #tpu.memory_space<semaphore_mem>>) src(%dma_wait3A_136 : memref<24x2048xf32, #tpu.memory_space<vmem>>) dst(%dma_wait3A_133 : memref<24x2048xf32, #tpu.memory_space<hbm>>)
    %dma_start3A_137 = arith.constant 0 : i32
    %dma_start3A_138 = arith.constant 0 : i32
    %dma_start3A_139 = tpu.memref_slice %arg7[%dma_start3A_137, %dma_start3A_138] : memref<24x2048xf32, #tpu.memory_space<vmem>> -> memref<24x2048xf32, #tpu.memory_space<vmem>>
    %dma_start3A_140 = arith.constant 72 : i32
    %dma_start3A_141 = tpu.memref_slice %arg5[%dma_start3A_140] : memref<208xi32, #tpu.memory_space<vmem>> -> memref<24xi32, #tpu.memory_space<vmem>>
    %dma_start3A_142 = tpu.memref_reshape %arg2 : memref<64x576x2048xf32, #tpu.memory_space<hbm>> -> memref<36864x2048xf32, #tpu.memory_space<hbm>>
    %dma_start3A_143 = arith.constant 0 : i32
    %dma_start3A_144 = arith.constant 0 : i32
    %dma_start3A_145 = tpu.memref_slice %dma_start3A_142[%dma_start3A_143, %dma_start3A_144] : memref<36864x2048xf32, #tpu.memory_space<hbm>> -> memref<36864x2048xf32, #tpu.memory_space<hbm>>
    tpu.enqueue_indirect_dma source(%dma_start3A_145 : memref<36864x2048xf32, #tpu.memory_space<hbm>>) target(%dma_start3A_139 : memref<24x2048xf32, #tpu.memory_space<vmem>>) offsets(%dma_start3A_141 : memref<24xi32, #tpu.memory_space<vmem>>) semaphore(%arg9 : memref<!tpu.dma_semaphore, #tpu.memory_space<semaphore_mem>>)
    %dma_wait3A_146 = arith.constant 0 : i32
    %dma_wait3A_147 = arith.constant 0 : i32
    %dma_wait3A_148 = tpu.memref_slice %arg7[%dma_wait3A_146, %dma_wait3A_147] : memref<24x2048xf32, #tpu.memory_space<vmem>> -> memref<24x2048xf32, #tpu.memory_space<vmem>>
    %dma_wait3A_149 = arith.constant 72 : i32
    %dma_wait3A_150 = tpu.memref_slice %arg5[%dma_wait3A_149] : memref<208xi32, #tpu.memory_space<vmem>> -> memref<24xi32, #tpu.memory_space<vmem>>
    %dma_wait3A_151 = tpu.memref_reshape %arg2 : memref<64x576x2048xf32, #tpu.memory_space<hbm>> -> memref<36864x2048xf32, #tpu.memory_space<hbm>>
    %dma_wait3A_152 = arith.constant 0 : i32
    %dma_wait3A_153 = arith.constant 0 : i32
    %dma_wait3A_154 = tpu.memref_slice %dma_wait3A_151[%dma_wait3A_152, %dma_wait3A_153] : memref<36864x2048xf32, #tpu.memory_space<hbm>> -> memref<36864x2048xf32, #tpu.memory_space<hbm>>
    tpu.wait_indirect_dma semaphore(%arg9 : memref<!tpu.dma_semaphore, #tpu.memory_space<semaphore_mem>>) src(%dma_wait3A_154 : memref<36864x2048xf32, #tpu.memory_space<hbm>>) dst(%dma_wait3A_148 : memref<24x2048xf32, #tpu.memory_space<vmem>>)
    %mul3A_155 = arith.constant 2 : i32
    %mul3A_156 = arith.muli %add3A, %mul3A_155 : i32
    %add3A_157 = arith.constant 0 : i32
    %add3A_158 = arith.addi %mul3A_156, %add3A_157 : i32
    %dma_start3A_159 = arith.constant 0 : i32
    %dma_start3A_160 = arith.constant 0 : i32
    %dma_start3A_161 = tpu.memref_slice %arg7[%dma_start3A_159, %dma_start3A_160] : memref<24x2048xf32, #tpu.memory_space<vmem>> -> memref<24x2048xf32, #tpu.memory_space<vmem>>
    %dma_start3A_162 = arith.constant 72 : i32
    %dma_start3A_163 = arith.constant 0 : i32
    %dma_start3A_164 = tpu.memref_slice %arg4[%add3A_158, %dma_start3A_162, %dma_start3A_163] : memref<64x104x2048xf32, #tpu.memory_space<hbm>> -> memref<1x24x2048xf32, #tpu.memory_space<hbm>>
    %dma_start3A_165 = tpu.memref_squeeze %dma_start3A_164 : memref<1x24x2048xf32, #tpu.memory_space<hbm>> -> memref<24x2048xf32, #tpu.memory_space<hbm>>
    %dma_start3A_166 = arith.constant 72 : i32
    %dma_start3A_167 = arith.constant 0 : i32
    %dma_start3A_168 = tpu.memref_slice %arg4[%add3A_158, %dma_start3A_166, %dma_start3A_167] : memref<64x104x2048xf32, #tpu.memory_space<hbm>> -> memref<1x24x2048xf32, #tpu.memory_space<hbm>>
    %dma_start3A_169 = tpu.memref_squeeze %dma_start3A_168 : memref<1x24x2048xf32, #tpu.memory_space<hbm>> -> memref<24x2048xf32, #tpu.memory_space<hbm>>
    %dma_start3A_170 = arith.constant 0 : i32
    %dma_start3A_171 = arith.constant 0 : i32
    %dma_start3A_172 = tpu.memref_slice %arg7[%dma_start3A_170, %dma_start3A_171] : memref<24x2048xf32, #tpu.memory_space<vmem>> -> memref<24x2048xf32, #tpu.memory_space<vmem>>
    tpu.enqueue_dma source(%dma_start3A_172 : memref<24x2048xf32, #tpu.memory_space<vmem>>) target(%dma_start3A_169 : memref<24x2048xf32, #tpu.memory_space<hbm>>) target_semaphore(%arg11 : memref<!tpu.dma_semaphore, #tpu.memory_space<semaphore_mem>>)
    %dma_wait3A_173 = arith.constant 0 : i32
    %dma_wait3A_174 = arith.constant 0 : i32
    %dma_wait3A_175 = tpu.memref_slice %arg6[%dma_wait3A_173, %dma_wait3A_174] : memref<24x2048xf32, #tpu.memory_space<vmem>> -> memref<24x2048xf32, #tpu.memory_space<vmem>>
    %dma_wait3A_176 = arith.constant 48 : i32
    %dma_wait3A_177 = arith.constant 0 : i32
    %dma_wait3A_178 = tpu.memref_slice %arg4[%add3A_108, %dma_wait3A_176, %dma_wait3A_177] : memref<64x104x2048xf32, #tpu.memory_space<hbm>> -> memref<1x24x2048xf32, #tpu.memory_space<hbm>>
    %dma_wait3A_179 = tpu.memref_squeeze %dma_wait3A_178 : memref<1x24x2048xf32, #tpu.memory_space<hbm>> -> memref<24x2048xf32, #tpu.memory_space<hbm>>
    %dma_wait3A_180 = arith.constant 48 : i32
    %dma_wait3A_181 = arith.constant 0 : i32
    %dma_wait3A_182 = tpu.memref_slice %arg4[%add3A_108, %dma_wait3A_180, %dma_wait3A_181] : memref<64x104x2048xf32, #tpu.memory_space<hbm>> -> memref<1x24x2048xf32, #tpu.memory_space<hbm>>
    %dma_wait3A_183 = tpu.memref_squeeze %dma_wait3A_182 : memref<1x24x2048xf32, #tpu.memory_space<hbm>> -> memref<24x2048xf32, #tpu.memory_space<hbm>>
    %dma_wait3A_184 = arith.constant 0 : i32
    %dma_wait3A_185 = arith.constant 0 : i32
    %dma_wait3A_186 = tpu.memref_slice %arg6[%dma_wait3A_184, %dma_wait3A_185] : memref<24x2048xf32, #tpu.memory_space<vmem>> -> memref<24x2048xf32, #tpu.memory_space<vmem>>
    tpu.wait_dma2 semaphore(%arg10 : memref<!tpu.dma_semaphore, #tpu.memory_space<semaphore_mem>>) src(%dma_wait3A_186 : memref<24x2048xf32, #tpu.memory_space<vmem>>) dst(%dma_wait3A_183 : memref<24x2048xf32, #tpu.memory_space<hbm>>)
    %dma_start3A_187 = arith.constant 0 : i32
    %dma_start3A_188 = arith.constant 0 : i32
    %dma_start3A_189 = tpu.memref_slice %arg6[%dma_start3A_187, %dma_start3A_188] : memref<24x2048xf32, #tpu.memory_space<vmem>> -> memref<8x2048xf32, #tpu.memory_space<vmem>>
    %dma_start3A_190 = arith.constant 96 : i32
    %dma_start3A_191 = tpu.memref_slice %arg5[%dma_start3A_190] : memref<208xi32, #tpu.memory_space<vmem>> -> memref<8xi32, #tpu.memory_space<vmem>>
    %dma_start3A_192 = tpu.memref_reshape %arg2 : memref<64x576x2048xf32, #tpu.memory_space<hbm>> -> memref<36864x2048xf32, #tpu.memory_space<hbm>>
    %dma_start3A_193 = arith.constant 0 : i32
    %dma_start3A_194 = arith.constant 0 : i32
    %dma_start3A_195 = tpu.memref_slice %dma_start3A_192[%dma_start3A_193, %dma_start3A_194] : memref<36864x2048xf32, #tpu.memory_space<hbm>> -> memref<36864x2048xf32, #tpu.memory_space<hbm>>
    tpu.enqueue_indirect_dma source(%dma_start3A_195 : memref<36864x2048xf32, #tpu.memory_space<hbm>>) target(%dma_start3A_189 : memref<8x2048xf32, #tpu.memory_space<vmem>>) offsets(%dma_start3A_191 : memref<8xi32, #tpu.memory_space<vmem>>) semaphore(%arg8 : memref<!tpu.dma_semaphore, #tpu.memory_space<semaphore_mem>>)
    %dma_wait3A_196 = arith.constant 0 : i32
    %dma_wait3A_197 = arith.constant 0 : i32
    %dma_wait3A_198 = tpu.memref_slice %arg6[%dma_wait3A_196, %dma_wait3A_197] : memref<24x2048xf32, #tpu.memory_space<vmem>> -> memref<8x2048xf32, #tpu.memory_space<vmem>>
    %dma_wait3A_199 = arith.constant 96 : i32
    %dma_wait3A_200 = tpu.memref_slice %arg5[%dma_wait3A_199] : memref<208xi32, #tpu.memory_space<vmem>> -> memref<8xi32, #tpu.memory_space<vmem>>
    %dma_wait3A_201 = tpu.memref_reshape %arg2 : memref<64x576x2048xf32, #tpu.memory_space<hbm>> -> memref<36864x2048xf32, #tpu.memory_space<hbm>>
    %dma_wait3A_202 = arith.constant 0 : i32
    %dma_wait3A_203 = arith.constant 0 : i32
    %dma_wait3A_204 = tpu.memref_slice %dma_wait3A_201[%dma_wait3A_202, %dma_wait3A_203] : memref<36864x2048xf32, #tpu.memory_space<hbm>> -> memref<36864x2048xf32, #tpu.memory_space<hbm>>
    tpu.wait_indirect_dma semaphore(%arg8 : memref<!tpu.dma_semaphore, #tpu.memory_space<semaphore_mem>>) src(%dma_wait3A_204 : memref<36864x2048xf32, #tpu.memory_space<hbm>>) dst(%dma_wait3A_198 : memref<8x2048xf32, #tpu.memory_space<vmem>>)
    %mul3A_205 = arith.constant 2 : i32
    %mul3A_206 = arith.muli %add3A, %mul3A_205 : i32
    %add3A_207 = arith.constant 0 : i32
    %add3A_208 = arith.addi %mul3A_206, %add3A_207 : i32
    %dma_start3A_209 = arith.constant 0 : i32
    %dma_start3A_210 = arith.constant 0 : i32
    %dma_start3A_211 = tpu.memref_slice %arg6[%dma_start3A_209, %dma_start3A_210] : memref<24x2048xf32, #tpu.memory_space<vmem>> -> memref<8x2048xf32, #tpu.memory_space<vmem>>
    %dma_start3A_212 = arith.constant 96 : i32
    %dma_start3A_213 = arith.constant 0 : i32
    %dma_start3A_214 = tpu.memref_slice %arg4[%add3A_208, %dma_start3A_212, %dma_start3A_213] : memref<64x104x2048xf32, #tpu.memory_space<hbm>> -> memref<1x8x2048xf32, #tpu.memory_space<hbm>>
    %dma_start3A_215 = tpu.memref_squeeze %dma_start3A_214 : memref<1x8x2048xf32, #tpu.memory_space<hbm>> -> memref<8x2048xf32, #tpu.memory_space<hbm>>
    %dma_start3A_216 = arith.constant 96 : i32
    %dma_start3A_217 = arith.constant 0 : i32
    %dma_start3A_218 = tpu.memref_slice %arg4[%add3A_208, %dma_start3A_216, %dma_start3A_217] : memref<64x104x2048xf32, #tpu.memory_space<hbm>> -> memref<1x8x2048xf32, #tpu.memory_space<hbm>>
    %dma_start3A_219 = tpu.memref_squeeze %dma_start3A_218 : memref<1x8x2048xf32, #tpu.memory_space<hbm>> -> memref<8x2048xf32, #tpu.memory_space<hbm>>
    %dma_start3A_220 = arith.constant 0 : i32
    %dma_start3A_221 = arith.constant 0 : i32
    %dma_start3A_222 = tpu.memref_slice %arg6[%dma_start3A_220, %dma_start3A_221] : memref<24x2048xf32, #tpu.memory_space<vmem>> -> memref<8x2048xf32, #tpu.memory_space<vmem>>
    tpu.enqueue_dma source(%dma_start3A_222 : memref<8x2048xf32, #tpu.memory_space<vmem>>) target(%dma_start3A_219 : memref<8x2048xf32, #tpu.memory_space<hbm>>) target_semaphore(%arg10 : memref<!tpu.dma_semaphore, #tpu.memory_space<semaphore_mem>>)
    %dma_wait3A_223 = arith.constant 0 : i32
    %dma_wait3A_224 = arith.constant 0 : i32
    %dma_wait3A_225 = tpu.memref_slice %arg7[%dma_wait3A_223, %dma_wait3A_224] : memref<24x2048xf32, #tpu.memory_space<vmem>> -> memref<24x2048xf32, #tpu.memory_space<vmem>>
    %dma_wait3A_226 = arith.constant 72 : i32
    %dma_wait3A_227 = arith.constant 0 : i32
    %dma_wait3A_228 = tpu.memref_slice %arg4[%add3A_158, %dma_wait3A_226, %dma_wait3A_227] : memref<64x104x2048xf32, #tpu.memory_space<hbm>> -> memref<1x24x2048xf32, #tpu.memory_space<hbm>>
    %dma_wait3A_229 = tpu.memref_squeeze %dma_wait3A_228 : memref<1x24x2048xf32, #tpu.memory_space<hbm>> -> memref<24x2048xf32, #tpu.memory_space<hbm>>
    %dma_wait3A_230 = arith.constant 72 : i32
    %dma_wait3A_231 = arith.constant 0 : i32
    %dma_wait3A_232 = tpu.memref_slice %arg4[%add3A_158, %dma_wait3A_230, %dma_wait3A_231] : memref<64x104x2048xf32, #tpu.memory_space<hbm>> -> memref<1x24x2048xf32, #tpu.memory_space<hbm>>
    %dma_wait3A_233 = tpu.memref_squeeze %dma_wait3A_232 : memref<1x24x2048xf32, #tpu.memory_space<hbm>> -> memref<24x2048xf32, #tpu.memory_space<hbm>>
    %dma_wait3A_234 = arith.constant 0 : i32
    %dma_wait3A_235 = arith.constant 0 : i32
    %dma_wait3A_236 = tpu.memref_slice %arg7[%dma_wait3A_234, %dma_wait3A_235] : memref<24x2048xf32, #tpu.memory_space<vmem>> -> memref<24x2048xf32, #tpu.memory_space<vmem>>
    tpu.wait_dma2 semaphore(%arg11 : memref<!tpu.dma_semaphore, #tpu.memory_space<semaphore_mem>>) src(%dma_wait3A_236 : memref<24x2048xf32, #tpu.memory_space<vmem>>) dst(%dma_wait3A_233 : memref<24x2048xf32, #tpu.memory_space<hbm>>)
    %dma_start3A_237 = arith.constant 0 : i32
    %dma_start3A_238 = arith.constant 0 : i32
    %dma_start3A_239 = tpu.memref_slice %arg7[%dma_start3A_237, %dma_start3A_238] : memref<24x2048xf32, #tpu.memory_space<vmem>> -> memref<24x2048xf32, #tpu.memory_space<vmem>>
    %dma_start3A_240 = arith.constant 104 : i32
    %dma_start3A_241 = tpu.memref_slice %arg5[%dma_start3A_240] : memref<208xi32, #tpu.memory_space<vmem>> -> memref<24xi32, #tpu.memory_space<vmem>>
    %dma_start3A_242 = tpu.memref_reshape %arg2 : memref<64x576x2048xf32, #tpu.memory_space<hbm>> -> memref<36864x2048xf32, #tpu.memory_space<hbm>>
    %dma_start3A_243 = arith.constant 0 : i32
    %dma_start3A_244 = arith.constant 0 : i32
    %dma_start3A_245 = tpu.memref_slice %dma_start3A_242[%dma_start3A_243, %dma_start3A_244] : memref<36864x2048xf32, #tpu.memory_space<hbm>> -> memref<36864x2048xf32, #tpu.memory_space<hbm>>
    tpu.enqueue_indirect_dma source(%dma_start3A_245 : memref<36864x2048xf32, #tpu.memory_space<hbm>>) target(%dma_start3A_239 : memref<24x2048xf32, #tpu.memory_space<vmem>>) offsets(%dma_start3A_241 : memref<24xi32, #tpu.memory_space<vmem>>) semaphore(%arg9 : memref<!tpu.dma_semaphore, #tpu.memory_space<semaphore_mem>>)
    %dma_wait3A_246 = arith.constant 0 : i32
    %dma_wait3A_247 = arith.constant 0 : i32
    %dma_wait3A_248 = tpu.memref_slice %arg7[%dma_wait3A_246, %dma_wait3A_247] : memref<24x2048xf32, #tpu.memory_space<vmem>> -> memref<24x2048xf32, #tpu.memory_space<vmem>>
    %dma_wait3A_249 = arith.constant 104 : i32
    %dma_wait3A_250 = tpu.memref_slice %arg5[%dma_wait3A_249] : memref<208xi32, #tpu.memory_space<vmem>> -> memref<24xi32, #tpu.memory_space<vmem>>
    %dma_wait3A_251 = tpu.memref_reshape %arg2 : memref<64x576x2048xf32, #tpu.memory_space<hbm>> -> memref<36864x2048xf32, #tpu.memory_space<hbm>>
    %dma_wait3A_252 = arith.constant 0 : i32
    %dma_wait3A_253 = arith.constant 0 : i32
    %dma_wait3A_254 = tpu.memref_slice %dma_wait3A_251[%dma_wait3A_252, %dma_wait3A_253] : memref<36864x2048xf32, #tpu.memory_space<hbm>> -> memref<36864x2048xf32, #tpu.memory_space<hbm>>
    tpu.wait_indirect_dma semaphore(%arg9 : memref<!tpu.dma_semaphore, #tpu.memory_space<semaphore_mem>>) src(%dma_wait3A_254 : memref<36864x2048xf32, #tpu.memory_space<hbm>>) dst(%dma_wait3A_248 : memref<24x2048xf32, #tpu.memory_space<vmem>>)
    %mul3A_255 = arith.constant 2 : i32
    %mul3A_256 = arith.muli %add3A, %mul3A_255 : i32
    %add3A_257 = arith.constant 1 : i32
    %add3A_258 = arith.addi %mul3A_256, %add3A_257 : i32
    %dma_start3A_259 = arith.constant 0 : i32
    %dma_start3A_260 = arith.constant 0 : i32
    %dma_start3A_261 = tpu.memref_slice %arg7[%dma_start3A_259, %dma_start3A_260] : memref<24x2048xf32, #tpu.memory_space<vmem>> -> memref<24x2048xf32, #tpu.memory_space<vmem>>
    %dma_start3A_262 = arith.constant 0 : i32
    %dma_start3A_263 = arith.constant 0 : i32
    %dma_start3A_264 = tpu.memref_slice %arg4[%add3A_258, %dma_start3A_262, %dma_start3A_263] : memref<64x104x2048xf32, #tpu.memory_space<hbm>> -> memref<1x24x2048xf32, #tpu.memory_space<hbm>>
    %dma_start3A_265 = tpu.memref_squeeze %dma_start3A_264 : memref<1x24x2048xf32, #tpu.memory_space<hbm>> -> memref<24x2048xf32, #tpu.memory_space<hbm>>
    %dma_start3A_266 = arith.constant 0 : i32
    %dma_start3A_267 = arith.constant 0 : i32
    %dma_start3A_268 = tpu.memref_slice %arg4[%add3A_258, %dma_start3A_266, %dma_start3A_267] : memref<64x104x2048xf32, #tpu.memory_space<hbm>> -> memref<1x24x2048xf32, #tpu.memory_space<hbm>>
    %dma_start3A_269 = tpu.memref_squeeze %dma_start3A_268 : memref<1x24x2048xf32, #tpu.memory_space<hbm>> -> memref<24x2048xf32, #tpu.memory_space<hbm>>
    %dma_start3A_270 = arith.constant 0 : i32
    %dma_start3A_271 = arith.constant 0 : i32
    %dma_start3A_272 = tpu.memref_slice %arg7[%dma_start3A_270, %dma_start3A_271] : memref<24x2048xf32, #tpu.memory_space<vmem>> -> memref<24x2048xf32, #tpu.memory_space<vmem>>
    tpu.enqueue_dma source(%dma_start3A_272 : memref<24x2048xf32, #tpu.memory_space<vmem>>) target(%dma_start3A_269 : memref<24x2048xf32, #tpu.memory_space<hbm>>) target_semaphore(%arg11 : memref<!tpu.dma_semaphore, #tpu.memory_space<semaphore_mem>>)
    %dma_wait3A_273 = arith.constant 0 : i32
    %dma_wait3A_274 = arith.constant 0 : i32
    %dma_wait3A_275 = tpu.memref_slice %arg6[%dma_wait3A_273, %dma_wait3A_274] : memref<24x2048xf32, #tpu.memory_space<vmem>> -> memref<8x2048xf32, #tpu.memory_space<vmem>>
    %dma_wait3A_276 = arith.constant 96 : i32
    %dma_wait3A_277 = arith.constant 0 : i32
    %dma_wait3A_278 = tpu.memref_slice %arg4[%add3A_208, %dma_wait3A_276, %dma_wait3A_277] : memref<64x104x2048xf32, #tpu.memory_space<hbm>> -> memref<1x8x2048xf32, #tpu.memory_space<hbm>>
    %dma_wait3A_279 = tpu.memref_squeeze %dma_wait3A_278 : memref<1x8x2048xf32, #tpu.memory_space<hbm>> -> memref<8x2048xf32, #tpu.memory_space<hbm>>
    %dma_wait3A_280 = arith.constant 96 : i32
    %dma_wait3A_281 = arith.constant 0 : i32
    %dma_wait3A_282 = tpu.memref_slice %arg4[%add3A_208, %dma_wait3A_280, %dma_wait3A_281] : memref<64x104x2048xf32, #tpu.memory_space<hbm>> -> memref<1x8x2048xf32, #tpu.memory_space<hbm>>
    %dma_wait3A_283 = tpu.memref_squeeze %dma_wait3A_282 : memref<1x8x2048xf32, #tpu.memory_space<hbm>> -> memref<8x2048xf32, #tpu.memory_space<hbm>>
    %dma_wait3A_284 = arith.constant 0 : i32
    %dma_wait3A_285 = arith.constant 0 : i32
    %dma_wait3A_286 = tpu.memref_slice %arg6[%dma_wait3A_284, %dma_wait3A_285] : memref<24x2048xf32, #tpu.memory_space<vmem>> -> memref<8x2048xf32, #tpu.memory_space<vmem>>
    tpu.wait_dma2 semaphore(%arg10 : memref<!tpu.dma_semaphore, #tpu.memory_space<semaphore_mem>>) src(%dma_wait3A_286 : memref<8x2048xf32, #tpu.memory_space<vmem>>) dst(%dma_wait3A_283 : memref<8x2048xf32, #tpu.memory_space<hbm>>)
    %dma_start3A_287 = arith.constant 0 : i32
    %dma_start3A_288 = arith.constant 0 : i32
    %dma_start3A_289 = tpu.memref_slice %arg6[%dma_start3A_287, %dma_start3A_288] : memref<24x2048xf32, #tpu.memory_space<vmem>> -> memref<24x2048xf32, #tpu.memory_space<vmem>>
    %dma_start3A_290 = arith.constant 128 : i32
    %dma_start3A_291 = tpu.memref_slice %arg5[%dma_start3A_290] : memref<208xi32, #tpu.memory_space<vmem>> -> memref<24xi32, #tpu.memory_space<vmem>>
    %dma_start3A_292 = tpu.memref_reshape %arg2 : memref<64x576x2048xf32, #tpu.memory_space<hbm>> -> memref<36864x2048xf32, #tpu.memory_space<hbm>>
    %dma_start3A_293 = arith.constant 0 : i32
    %dma_start3A_294 = arith.constant 0 : i32
    %dma_start3A_295 = tpu.memref_slice %dma_start3A_292[%dma_start3A_293, %dma_start3A_294] : memref<36864x2048xf32, #tpu.memory_space<hbm>> -> memref<36864x2048xf32, #tpu.memory_space<hbm>>
    tpu.enqueue_indirect_dma source(%dma_start3A_295 : memref<36864x2048xf32, #tpu.memory_space<hbm>>) target(%dma_start3A_289 : memref<24x2048xf32, #tpu.memory_space<vmem>>) offsets(%dma_start3A_291 : memref<24xi32, #tpu.memory_space<vmem>>) semaphore(%arg8 : memref<!tpu.dma_semaphore, #tpu.memory_space<semaphore_mem>>)
    %dma_wait3A_296 = arith.constant 0 : i32
    %dma_wait3A_297 = arith.constant 0 : i32
    %dma_wait3A_298 = tpu.memref_slice %arg6[%dma_wait3A_296, %dma_wait3A_297] : memref<24x2048xf32, #tpu.memory_space<vmem>> -> memref<24x2048xf32, #tpu.memory_space<vmem>>
    %dma_wait3A_299 = arith.constant 128 : i32
    %dma_wait3A_300 = tpu.memref_slice %arg5[%dma_wait3A_299] : memref<208xi32, #tpu.memory_space<vmem>> -> memref<24xi32, #tpu.memory_space<vmem>>
    %dma_wait3A_301 = tpu.memref_reshape %arg2 : memref<64x576x2048xf32, #tpu.memory_space<hbm>> -> memref<36864x2048xf32, #tpu.memory_space<hbm>>
    %dma_wait3A_302 = arith.constant 0 : i32
    %dma_wait3A_303 = arith.constant 0 : i32
    %dma_wait3A_304 = tpu.memref_slice %dma_wait3A_301[%dma_wait3A_302, %dma_wait3A_303] : memref<36864x2048xf32, #tpu.memory_space<hbm>> -> memref<36864x2048xf32, #tpu.memory_space<hbm>>
    tpu.wait_indirect_dma semaphore(%arg8 : memref<!tpu.dma_semaphore, #tpu.memory_space<semaphore_mem>>) src(%dma_wait3A_304 : memref<36864x2048xf32, #tpu.memory_space<hbm>>) dst(%dma_wait3A_298 : memref<24x2048xf32, #tpu.memory_space<vmem>>)
    %mul3A_305 = arith.constant 2 : i32
    %mul3A_306 = arith.muli %add3A, %mul3A_305 : i32
    %add3A_307 = arith.constant 1 : i32
    %add3A_308 = arith.addi %mul3A_306, %add3A_307 : i32
    %dma_start3A_309 = arith.constant 0 : i32
    %dma_start3A_310 = arith.constant 0 : i32
    %dma_start3A_311 = tpu.memref_slice %arg6[%dma_start3A_309, %dma_start3A_310] : memref<24x2048xf32, #tpu.memory_space<vmem>> -> memref<24x2048xf32, #tpu.memory_space<vmem>>
    %dma_start3A_312 = arith.constant 24 : i32
    %dma_start3A_313 = arith.constant 0 : i32
    %dma_start3A_314 = tpu.memref_slice %arg4[%add3A_308, %dma_start3A_312, %dma_start3A_313] : memref<64x104x2048xf32, #tpu.memory_space<hbm>> -> memref<1x24x2048xf32, #tpu.memory_space<hbm>>
    %dma_start3A_315 = tpu.memref_squeeze %dma_start3A_314 : memref<1x24x2048xf32, #tpu.memory_space<hbm>> -> memref<24x2048xf32, #tpu.memory_space<hbm>>
    %dma_start3A_316 = arith.constant 24 : i32
    %dma_start3A_317 = arith.constant 0 : i32
    %dma_start3A_318 = tpu.memref_slice %arg4[%add3A_308, %dma_start3A_316, %dma_start3A_317] : memref<64x104x2048xf32, #tpu.memory_space<hbm>> -> memref<1x24x2048xf32, #tpu.memory_space<hbm>>
    %dma_start3A_319 = tpu.memref_squeeze %dma_start3A_318 : memref<1x24x2048xf32, #tpu.memory_space<hbm>> -> memref<24x2048xf32, #tpu.memory_space<hbm>>
    %dma_start3A_320 = arith.constant 0 : i32
    %dma_start3A_321 = arith.constant 0 : i32
    %dma_start3A_322 = tpu.memref_slice %arg6[%dma_start3A_320, %dma_start3A_321] : memref<24x2048xf32, #tpu.memory_space<vmem>> -> memref<24x2048xf32, #tpu.memory_space<vmem>>
    tpu.enqueue_dma source(%dma_start3A_322 : memref<24x2048xf32, #tpu.memory_space<vmem>>) target(%dma_start3A_319 : memref<24x2048xf32, #tpu.memory_space<hbm>>) target_semaphore(%arg10 : memref<!tpu.dma_semaphore, #tpu.memory_space<semaphore_mem>>)
    %dma_wait3A_323 = arith.constant 0 : i32
    %dma_wait3A_324 = arith.constant 0 : i32
    %dma_wait3A_325 = tpu.memref_slice %arg7[%dma_wait3A_323, %dma_wait3A_324] : memref<24x2048xf32, #tpu.memory_space<vmem>> -> memref<24x2048xf32, #tpu.memory_space<vmem>>
    %dma_wait3A_326 = arith.constant 0 : i32
    %dma_wait3A_327 = arith.constant 0 : i32
    %dma_wait3A_328 = tpu.memref_slice %arg4[%add3A_258, %dma_wait3A_326, %dma_wait3A_327] : memref<64x104x2048xf32, #tpu.memory_space<hbm>> -> memref<1x24x2048xf32, #tpu.memory_space<hbm>>
    %dma_wait3A_329 = tpu.memref_squeeze %dma_wait3A_328 : memref<1x24x2048xf32, #tpu.memory_space<hbm>> -> memref<24x2048xf32, #tpu.memory_space<hbm>>
    %dma_wait3A_330 = arith.constant 0 : i32
    %dma_wait3A_331 = arith.constant 0 : i32
    %dma_wait3A_332 = tpu.memref_slice %arg4[%add3A_258, %dma_wait3A_330, %dma_wait3A_331] : memref<64x104x2048xf32, #tpu.memory_space<hbm>> -> memref<1x24x2048xf32, #tpu.memory_space<hbm>>
    %dma_wait3A_333 = tpu.memref_squeeze %dma_wait3A_332 : memref<1x24x2048xf32, #tpu.memory_space<hbm>> -> memref<24x2048xf32, #tpu.memory_space<hbm>>
    %dma_wait3A_334 = arith.constant 0 : i32
    %dma_wait3A_335 = arith.constant 0 : i32
    %dma_wait3A_336 = tpu.memref_slice %arg7[%dma_wait3A_334, %dma_wait3A_335] : memref<24x2048xf32, #tpu.memory_space<vmem>> -> memref<24x2048xf32, #tpu.memory_space<vmem>>
    tpu.wait_dma2 semaphore(%arg11 : memref<!tpu.dma_semaphore, #tpu.memory_space<semaphore_mem>>) src(%dma_wait3A_336 : memref<24x2048xf32, #tpu.memory_space<vmem>>) dst(%dma_wait3A_333 : memref<24x2048xf32, #tpu.memory_space<hbm>>)
    %dma_start3A_337 = arith.constant 0 : i32
    %dma_start3A_338 = arith.constant 0 : i32
    %dma_start3A_339 = tpu.memref_slice %arg7[%dma_start3A_337, %dma_start3A_338] : memref<24x2048xf32, #tpu.memory_space<vmem>> -> memref<24x2048xf32, #tpu.memory_space<vmem>>
    %dma_start3A_340 = arith.constant 152 : i32
    %dma_start3A_341 = tpu.memref_slice %arg5[%dma_start3A_340] : memref<208xi32, #tpu.memory_space<vmem>> -> memref<24xi32, #tpu.memory_space<vmem>>
    %dma_start3A_342 = tpu.memref_reshape %arg2 : memref<64x576x2048xf32, #tpu.memory_space<hbm>> -> memref<36864x2048xf32, #tpu.memory_space<hbm>>
    %dma_start3A_343 = arith.constant 0 : i32
    %dma_start3A_344 = arith.constant 0 : i32
    %dma_start3A_345 = tpu.memref_slice %dma_start3A_342[%dma_start3A_343, %dma_start3A_344] : memref<36864x2048xf32, #tpu.memory_space<hbm>> -> memref<36864x2048xf32, #tpu.memory_space<hbm>>
    tpu.enqueue_indirect_dma source(%dma_start3A_345 : memref<36864x2048xf32, #tpu.memory_space<hbm>>) target(%dma_start3A_339 : memref<24x2048xf32, #tpu.memory_space<vmem>>) offsets(%dma_start3A_341 : memref<24xi32, #tpu.memory_space<vmem>>) semaphore(%arg9 : memref<!tpu.dma_semaphore, #tpu.memory_space<semaphore_mem>>)
    %dma_wait3A_346 = arith.constant 0 : i32
    %dma_wait3A_347 = arith.constant 0 : i32
    %dma_wait3A_348 = tpu.memref_slice %arg7[%dma_wait3A_346, %dma_wait3A_347] : memref<24x2048xf32, #tpu.memory_space<vmem>> -> memref<24x2048xf32, #tpu.memory_space<vmem>>
    %dma_wait3A_349 = arith.constant 152 : i32
    %dma_wait3A_350 = tpu.memref_slice %arg5[%dma_wait3A_349] : memref<208xi32, #tpu.memory_space<vmem>> -> memref<24xi32, #tpu.memory_space<vmem>>
    %dma_wait3A_351 = tpu.memref_reshape %arg2 : memref<64x576x2048xf32, #tpu.memory_space<hbm>> -> memref<36864x2048xf32, #tpu.memory_space<hbm>>
    %dma_wait3A_352 = arith.constant 0 : i32
    %dma_wait3A_353 = arith.constant 0 : i32
    %dma_wait3A_354 = tpu.memref_slice %dma_wait3A_351[%dma_wait3A_352, %dma_wait3A_353] : memref<36864x2048xf32, #tpu.memory_space<hbm>> -> memref<36864x2048xf32, #tpu.memory_space<hbm>>
    tpu.wait_indirect_dma semaphore(%arg9 : memref<!tpu.dma_semaphore, #tpu.memory_space<semaphore_mem>>) src(%dma_wait3A_354 : memref<36864x2048xf32, #tpu.memory_space<hbm>>) dst(%dma_wait3A_348 : memref<24x2048xf32, #tpu.memory_space<vmem>>)
    %mul3A_355 = arith.constant 2 : i32
    %mul3A_356 = arith.muli %add3A, %mul3A_355 : i32
    %add3A_357 = arith.constant 1 : i32
    %add3A_358 = arith.addi %mul3A_356, %add3A_357 : i32
    %dma_start3A_359 = arith.constant 0 : i32
    %dma_start3A_360 = arith.constant 0 : i32
    %dma_start3A_361 = tpu.memref_slice %arg7[%dma_start3A_359, %dma_start3A_360] : memref<24x2048xf32, #tpu.memory_space<vmem>> -> memref<24x2048xf32, #tpu.memory_space<vmem>>
    %dma_start3A_362 = arith.constant 48 : i32
    %dma_start3A_363 = arith.constant 0 : i32
    %dma_start3A_364 = tpu.memref_slice %arg4[%add3A_358, %dma_start3A_362, %dma_start3A_363] : memref<64x104x2048xf32, #tpu.memory_space<hbm>> -> memref<1x24x2048xf32, #tpu.memory_space<hbm>>
    %dma_start3A_365 = tpu.memref_squeeze %dma_start3A_364 : memref<1x24x2048xf32, #tpu.memory_space<hbm>> -> memref<24x2048xf32, #tpu.memory_space<hbm>>
    %dma_start3A_366 = arith.constant 48 : i32
    %dma_start3A_367 = arith.constant 0 : i32
    %dma_start3A_368 = tpu.memref_slice %arg4[%add3A_358, %dma_start3A_366, %dma_start3A_367] : memref<64x104x2048xf32, #tpu.memory_space<hbm>> -> memref<1x24x2048xf32, #tpu.memory_space<hbm>>
    %dma_start3A_369 = tpu.memref_squeeze %dma_start3A_368 : memref<1x24x2048xf32, #tpu.memory_space<hbm>> -> memref<24x2048xf32, #tpu.memory_space<hbm>>
    %dma_start3A_370 = arith.constant 0 : i32
    %dma_start3A_371 = arith.constant 0 : i32
    %dma_start3A_372 = tpu.memref_slice %arg7[%dma_start3A_370, %dma_start3A_371] : memref<24x2048xf32, #tpu.memory_space<vmem>> -> memref<24x2048xf32, #tpu.memory_space<vmem>>
    tpu.enqueue_dma source(%dma_start3A_372 : memref<24x2048xf32, #tpu.memory_space<vmem>>) target(%dma_start3A_369 : memref<24x2048xf32, #tpu.memory_space<hbm>>) target_semaphore(%arg11 : memref<!tpu.dma_semaphore, #tpu.memory_space<semaphore_mem>>)
    %dma_wait3A_373 = arith.constant 0 : i32
    %dma_wait3A_374 = arith.constant 0 : i32
    %dma_wait3A_375 = tpu.memref_slice %arg6[%dma_wait3A_373, %dma_wait3A_374] : memref<24x2048xf32, #tpu.memory_space<vmem>> -> memref<24x2048xf32, #tpu.memory_space<vmem>>
    %dma_wait3A_376 = arith.constant 24 : i32
    %dma_wait3A_377 = arith.constant 0 : i32
    %dma_wait3A_378 = tpu.memref_slice %arg4[%add3A_308, %dma_wait3A_376, %dma_wait3A_377] : memref<64x104x2048xf32, #tpu.memory_space<hbm>> -> memref<1x24x2048xf32, #tpu.memory_space<hbm>>
    %dma_wait3A_379 = tpu.memref_squeeze %dma_wait3A_378 : memref<1x24x2048xf32, #tpu.memory_space<hbm>> -> memref<24x2048xf32, #tpu.memory_space<hbm>>
    %dma_wait3A_380 = arith.constant 24 : i32
    %dma_wait3A_381 = arith.constant 0 : i32
    %dma_wait3A_382 = tpu.memref_slice %arg4[%add3A_308, %dma_wait3A_380, %dma_wait3A_381] : memref<64x104x2048xf32, #tpu.memory_space<hbm>> -> memref<1x24x2048xf32, #tpu.memory_space<hbm>>
    %dma_wait3A_383 = tpu.memref_squeeze %dma_wait3A_382 : memref<1x24x2048xf32, #tpu.memory_space<hbm>> -> memref<24x2048xf32, #tpu.memory_space<hbm>>
    %dma_wait3A_384 = arith.constant 0 : i32
    %dma_wait3A_385 = arith.constant 0 : i32
    %dma_wait3A_386 = tpu.memref_slice %arg6[%dma_wait3A_384, %dma_wait3A_385] : memref<24x2048xf32, #tpu.memory_space<vmem>> -> memref<24x2048xf32, #tpu.memory_space<vmem>>
    tpu.wait_dma2 semaphore(%arg10 : memref<!tpu.dma_semaphore, #tpu.memory_space<semaphore_mem>>) src(%dma_wait3A_386 : memref<24x2048xf32, #tpu.memory_space<vmem>>) dst(%dma_wait3A_383 : memref<24x2048xf32, #tpu.memory_space<hbm>>)
    %dma_start3A_387 = arith.constant 0 : i32
    %dma_start3A_388 = arith.constant 0 : i32
    %dma_start3A_389 = tpu.memref_slice %arg6[%dma_start3A_387, %dma_start3A_388] : memref<24x2048xf32, #tpu.memory_space<vmem>> -> memref<24x2048xf32, #tpu.memory_space<vmem>>
    %dma_start3A_390 = arith.constant 176 : i32
    %dma_start3A_391 = tpu.memref_slice %arg5[%dma_start3A_390] : memref<208xi32, #tpu.memory_space<vmem>> -> memref<24xi32, #tpu.memory_space<vmem>>
    %dma_start3A_392 = tpu.memref_reshape %arg2 : memref<64x576x2048xf32, #tpu.memory_space<hbm>> -> memref<36864x2048xf32, #tpu.memory_space<hbm>>
    %dma_start3A_393 = arith.constant 0 : i32
    %dma_start3A_394 = arith.constant 0 : i32
    %dma_start3A_395 = tpu.memref_slice %dma_start3A_392[%dma_start3A_393, %dma_start3A_394] : memref<36864x2048xf32, #tpu.memory_space<hbm>> -> memref<36864x2048xf32, #tpu.memory_space<hbm>>
    tpu.enqueue_indirect_dma source(%dma_start3A_395 : memref<36864x2048xf32, #tpu.memory_space<hbm>>) target(%dma_start3A_389 : memref<24x2048xf32, #tpu.memory_space<vmem>>) offsets(%dma_start3A_391 : memref<24xi32, #tpu.memory_space<vmem>>) semaphore(%arg8 : memref<!tpu.dma_semaphore, #tpu.memory_space<semaphore_mem>>)
    %dma_wait3A_396 = arith.constant 0 : i32
    %dma_wait3A_397 = arith.constant 0 : i32
    %dma_wait3A_398 = tpu.memref_slice %arg6[%dma_wait3A_396, %dma_wait3A_397] : memref<24x2048xf32, #tpu.memory_space<vmem>> -> memref<24x2048xf32, #tpu.memory_space<vmem>>
    %dma_wait3A_399 = arith.constant 176 : i32
    %dma_wait3A_400 = tpu.memref_slice %arg5[%dma_wait3A_399] : memref<208xi32, #tpu.memory_space<vmem>> -> memref<24xi32, #tpu.memory_space<vmem>>
    %dma_wait3A_401 = tpu.memref_reshape %arg2 : memref<64x576x2048xf32, #tpu.memory_space<hbm>> -> memref<36864x2048xf32, #tpu.memory_space<hbm>>
    %dma_wait3A_402 = arith.constant 0 : i32
    %dma_wait3A_403 = arith.constant 0 : i32
    %dma_wait3A_404 = tpu.memref_slice %dma_wait3A_401[%dma_wait3A_402, %dma_wait3A_403] : memref<36864x2048xf32, #tpu.memory_space<hbm>> -> memref<36864x2048xf32, #tpu.memory_space<hbm>>
    tpu.wait_indirect_dma semaphore(%arg8 : memref<!tpu.dma_semaphore, #tpu.memory_space<semaphore_mem>>) src(%dma_wait3A_404 : memref<36864x2048xf32, #tpu.memory_space<hbm>>) dst(%dma_wait3A_398 : memref<24x2048xf32, #tpu.memory_space<vmem>>)
    %mul3A_405 = arith.constant 2 : i32
    %mul3A_406 = arith.muli %add3A, %mul3A_405 : i32
    %add3A_407 = arith.constant 1 : i32
    %add3A_408 = arith.addi %mul3A_406, %add3A_407 : i32
    %dma_start3A_409 = arith.constant 0 : i32
    %dma_start3A_410 = arith.constant 0 : i32
    %dma_start3A_411 = tpu.memref_slice %arg6[%dma_start3A_409, %dma_start3A_410] : memref<24x2048xf32, #tpu.memory_space<vmem>> -> memref<24x2048xf32, #tpu.memory_space<vmem>>
    %dma_start3A_412 = arith.constant 72 : i32
    %dma_start3A_413 = arith.constant 0 : i32
    %dma_start3A_414 = tpu.memref_slice %arg4[%add3A_408, %dma_start3A_412, %dma_start3A_413] : memref<64x104x2048xf32, #tpu.memory_space<hbm>> -> memref<1x24x2048xf32, #tpu.memory_space<hbm>>
    %dma_start3A_415 = tpu.memref_squeeze %dma_start3A_414 : memref<1x24x2048xf32, #tpu.memory_space<hbm>> -> memref<24x2048xf32, #tpu.memory_space<hbm>>
    %dma_start3A_416 = arith.constant 72 : i32
    %dma_start3A_417 = arith.constant 0 : i32
    %dma_start3A_418 = tpu.memref_slice %arg4[%add3A_408, %dma_start3A_416, %dma_start3A_417] : memref<64x104x2048xf32, #tpu.memory_space<hbm>> -> memref<1x24x2048xf32, #tpu.memory_space<hbm>>
    %dma_start3A_419 = tpu.memref_squeeze %dma_start3A_418 : memref<1x24x2048xf32, #tpu.memory_space<hbm>> -> memref<24x2048xf32, #tpu.memory_space<hbm>>
    %dma_start3A_420 = arith.constant 0 : i32
    %dma_start3A_421 = arith.constant 0 : i32
    %dma_start3A_422 = tpu.memref_slice %arg6[%dma_start3A_420, %dma_start3A_421] : memref<24x2048xf32, #tpu.memory_space<vmem>> -> memref<24x2048xf32, #tpu.memory_space<vmem>>
    tpu.enqueue_dma source(%dma_start3A_422 : memref<24x2048xf32, #tpu.memory_space<vmem>>) target(%dma_start3A_419 : memref<24x2048xf32, #tpu.memory_space<hbm>>) target_semaphore(%arg10 : memref<!tpu.dma_semaphore, #tpu.memory_space<semaphore_mem>>)
    %dma_wait3A_423 = arith.constant 0 : i32
    %dma_wait3A_424 = arith.constant 0 : i32
    %dma_wait3A_425 = tpu.memref_slice %arg7[%dma_wait3A_423, %dma_wait3A_424] : memref<24x2048xf32, #tpu.memory_space<vmem>> -> memref<24x2048xf32, #tpu.memory_space<vmem>>
    %dma_wait3A_426 = arith.constant 48 : i32
    %dma_wait3A_427 = arith.constant 0 : i32
    %dma_wait3A_428 = tpu.memref_slice %arg4[%add3A_358, %dma_wait3A_426, %dma_wait3A_427] : memref<64x104x2048xf32, #tpu.memory_space<hbm>> -> memref<1x24x2048xf32, #tpu.memory_space<hbm>>
    %dma_wait3A_429 = tpu.memref_squeeze %dma_wait3A_428 : memref<1x24x2048xf32, #tpu.memory_space<hbm>> -> memref<24x2048xf32, #tpu.memory_space<hbm>>
    %dma_wait3A_430 = arith.constant 48 : i32
    %dma_wait3A_431 = arith.constant 0 : i32
    %dma_wait3A_432 = tpu.memref_slice %arg4[%add3A_358, %dma_wait3A_430, %dma_wait3A_431] : memref<64x104x2048xf32, #tpu.memory_space<hbm>> -> memref<1x24x2048xf32, #tpu.memory_space<hbm>>
    %dma_wait3A_433 = tpu.memref_squeeze %dma_wait3A_432 : memref<1x24x2048xf32, #tpu.memory_space<hbm>> -> memref<24x2048xf32, #tpu.memory_space<hbm>>
    %dma_wait3A_434 = arith.constant 0 : i32
    %dma_wait3A_435 = arith.constant 0 : i32
    %dma_wait3A_436 = tpu.memref_slice %arg7[%dma_wait3A_434, %dma_wait3A_435] : memref<24x2048xf32, #tpu.memory_space<vmem>> -> memref<24x2048xf32, #tpu.memory_space<vmem>>
    tpu.wait_dma2 semaphore(%arg11 : memref<!tpu.dma_semaphore, #tpu.memory_space<semaphore_mem>>) src(%dma_wait3A_436 : memref<24x2048xf32, #tpu.memory_space<vmem>>) dst(%dma_wait3A_433 : memref<24x2048xf32, #tpu.memory_space<hbm>>)
    %dma_start3A_437 = arith.constant 0 : i32
    %dma_start3A_438 = arith.constant 0 : i32
    %dma_start3A_439 = tpu.memref_slice %arg7[%dma_start3A_437, %dma_start3A_438] : memref<24x2048xf32, #tpu.memory_space<vmem>> -> memref<8x2048xf32, #tpu.memory_space<vmem>>
    %dma_start3A_440 = arith.constant 200 : i32
    %dma_start3A_441 = tpu.memref_slice %arg5[%dma_start3A_440] : memref<208xi32, #tpu.memory_space<vmem>> -> memref<8xi32, #tpu.memory_space<vmem>>
    %dma_start3A_442 = tpu.memref_reshape %arg2 : memref<64x576x2048xf32, #tpu.memory_space<hbm>> -> memref<36864x2048xf32, #tpu.memory_space<hbm>>
    %dma_start3A_443 = arith.constant 0 : i32
    %dma_start3A_444 = arith.constant 0 : i32
    %dma_start3A_445 = tpu.memref_slice %dma_start3A_442[%dma_start3A_443, %dma_start3A_444] : memref<36864x2048xf32, #tpu.memory_space<hbm>> -> memref<36864x2048xf32, #tpu.memory_space<hbm>>
    tpu.enqueue_indirect_dma source(%dma_start3A_445 : memref<36864x2048xf32, #tpu.memory_space<hbm>>) target(%dma_start3A_439 : memref<8x2048xf32, #tpu.memory_space<vmem>>) offsets(%dma_start3A_441 : memref<8xi32, #tpu.memory_space<vmem>>) semaphore(%arg9 : memref<!tpu.dma_semaphore, #tpu.memory_space<semaphore_mem>>)
    %dma_wait3A_446 = arith.constant 0 : i32
    %dma_wait3A_447 = arith.constant 0 : i32
    %dma_wait3A_448 = tpu.memref_slice %arg7[%dma_wait3A_446, %dma_wait3A_447] : memref<24x2048xf32, #tpu.memory_space<vmem>> -> memref<8x2048xf32, #tpu.memory_space<vmem>>
    %dma_wait3A_449 = arith.constant 200 : i32
    %dma_wait3A_450 = tpu.memref_slice %arg5[%dma_wait3A_449] : memref<208xi32, #tpu.memory_space<vmem>> -> memref<8xi32, #tpu.memory_space<vmem>>
    %dma_wait3A_451 = tpu.memref_reshape %arg2 : memref<64x576x2048xf32, #tpu.memory_space<hbm>> -> memref<36864x2048xf32, #tpu.memory_space<hbm>>
    %dma_wait3A_452 = arith.constant 0 : i32
    %dma_wait3A_453 = arith.constant 0 : i32
    %dma_wait3A_454 = tpu.memref_slice %dma_wait3A_451[%dma_wait3A_452, %dma_wait3A_453] : memref<36864x2048xf32, #tpu.memory_space<hbm>> -> memref<36864x2048xf32, #tpu.memory_space<hbm>>
    tpu.wait_indirect_dma semaphore(%arg9 : memref<!tpu.dma_semaphore, #tpu.memory_space<semaphore_mem>>) src(%dma_wait3A_454 : memref<36864x2048xf32, #tpu.memory_space<hbm>>) dst(%dma_wait3A_448 : memref<8x2048xf32, #tpu.memory_space<vmem>>)
    %mul3A_455 = arith.constant 2 : i32
    %mul3A_456 = arith.muli %add3A, %mul3A_455 : i32
    %add3A_457 = arith.constant 1 : i32
    %add3A_458 = arith.addi %mul3A_456, %add3A_457 : i32
    %dma_start3A_459 = arith.constant 0 : i32
    %dma_start3A_460 = arith.constant 0 : i32
    %dma_start3A_461 = tpu.memref_slice %arg7[%dma_start3A_459, %dma_start3A_460] : memref<24x2048xf32, #tpu.memory_space<vmem>> -> memref<8x2048xf32, #tpu.memory_space<vmem>>
    %dma_start3A_462 = arith.constant 96 : i32
    %dma_start3A_463 = arith.constant 0 : i32
    %dma_start3A_464 = tpu.memref_slice %arg4[%add3A_458, %dma_start3A_462, %dma_start3A_463] : memref<64x104x2048xf32, #tpu.memory_space<hbm>> -> memref<1x8x2048xf32, #tpu.memory_space<hbm>>
    %dma_start3A_465 = tpu.memref_squeeze %dma_start3A_464 : memref<1x8x2048xf32, #tpu.memory_space<hbm>> -> memref<8x2048xf32, #tpu.memory_space<hbm>>
    %dma_start3A_466 = arith.constant 96 : i32
    %dma_start3A_467 = arith.constant 0 : i32
    %dma_start3A_468 = tpu.memref_slice %arg4[%add3A_458, %dma_start3A_466, %dma_start3A_467] : memref<64x104x2048xf32, #tpu.memory_space<hbm>> -> memref<1x8x2048xf32, #tpu.memory_space<hbm>>
    %dma_start3A_469 = tpu.memref_squeeze %dma_start3A_468 : memref<1x8x2048xf32, #tpu.memory_space<hbm>> -> memref<8x2048xf32, #tpu.memory_space<hbm>>
    %dma_start3A_470 = arith.constant 0 : i32
    %dma_start3A_471 = arith.constant 0 : i32
    %dma_start3A_472 = tpu.memref_slice %arg7[%dma_start3A_470, %dma_start3A_471] : memref<24x2048xf32, #tpu.memory_space<vmem>> -> memref<8x2048xf32, #tpu.memory_space<vmem>>
    tpu.enqueue_dma source(%dma_start3A_472 : memref<8x2048xf32, #tpu.memory_space<vmem>>) target(%dma_start3A_469 : memref<8x2048xf32, #tpu.memory_space<hbm>>) target_semaphore(%arg11 : memref<!tpu.dma_semaphore, #tpu.memory_space<semaphore_mem>>)
    %dma_wait3A_473 = arith.constant 0 : i32
    %dma_wait3A_474 = arith.constant 0 : i32
    %dma_wait3A_475 = tpu.memref_slice %arg6[%dma_wait3A_473, %dma_wait3A_474] : memref<24x2048xf32, #tpu.memory_space<vmem>> -> memref<24x2048xf32, #tpu.memory_space<vmem>>
    %dma_wait3A_476 = arith.constant 72 : i32
    %dma_wait3A_477 = arith.constant 0 : i32
    %dma_wait3A_478 = tpu.memref_slice %arg4[%add3A_408, %dma_wait3A_476, %dma_wait3A_477] : memref<64x104x2048xf32, #tpu.memory_space<hbm>> -> memref<1x24x2048xf32, #tpu.memory_space<hbm>>
    %dma_wait3A_479 = tpu.memref_squeeze %dma_wait3A_478 : memref<1x24x2048xf32, #tpu.memory_space<hbm>> -> memref<24x2048xf32, #tpu.memory_space<hbm>>
    %dma_wait3A_480 = arith.constant 72 : i32
    %dma_wait3A_481 = arith.constant 0 : i32
    %dma_wait3A_482 = tpu.memref_slice %arg4[%add3A_408, %dma_wait3A_480, %dma_wait3A_481] : memref<64x104x2048xf32, #tpu.memory_space<hbm>> -> memref<1x24x2048xf32, #tpu.memory_space<hbm>>
    %dma_wait3A_483 = tpu.memref_squeeze %dma_wait3A_482 : memref<1x24x2048xf32, #tpu.memory_space<hbm>> -> memref<24x2048xf32, #tpu.memory_space<hbm>>
    %dma_wait3A_484 = arith.constant 0 : i32
    %dma_wait3A_485 = arith.constant 0 : i32
    %dma_wait3A_486 = tpu.memref_slice %arg6[%dma_wait3A_484, %dma_wait3A_485] : memref<24x2048xf32, #tpu.memory_space<vmem>> -> memref<24x2048xf32, #tpu.memory_space<vmem>>
    tpu.wait_dma2 semaphore(%arg10 : memref<!tpu.dma_semaphore, #tpu.memory_space<semaphore_mem>>) src(%dma_wait3A_486 : memref<24x2048xf32, #tpu.memory_space<vmem>>) dst(%dma_wait3A_483 : memref<24x2048xf32, #tpu.memory_space<hbm>>)
    %dma_wait3A_487 = arith.constant 0 : i32
    %dma_wait3A_488 = arith.constant 0 : i32
    %dma_wait3A_489 = tpu.memref_slice %arg7[%dma_wait3A_487, %dma_wait3A_488] : memref<24x2048xf32, #tpu.memory_space<vmem>> -> memref<8x2048xf32, #tpu.memory_space<vmem>>
    %dma_wait3A_490 = arith.constant 96 : i32
    %dma_wait3A_491 = arith.constant 0 : i32
    %dma_wait3A_492 = tpu.memref_slice %arg4[%add3A_458, %dma_wait3A_490, %dma_wait3A_491] : memref<64x104x2048xf32, #tpu.memory_space<hbm>> -> memref<1x8x2048xf32, #tpu.memory_space<hbm>>
    %dma_wait3A_493 = tpu.memref_squeeze %dma_wait3A_492 : memref<1x8x2048xf32, #tpu.memory_space<hbm>> -> memref<8x2048xf32, #tpu.memory_space<hbm>>
    %dma_wait3A_494 = arith.constant 96 : i32
    %dma_wait3A_495 = arith.constant 0 : i32
    %dma_wait3A_496 = tpu.memref_slice %arg4[%add3A_458, %dma_wait3A_494, %dma_wait3A_495] : memref<64x104x2048xf32, #tpu.memory_space<hbm>> -> memref<1x8x2048xf32, #tpu.memory_space<hbm>>
    %dma_wait3A_497 = tpu.memref_squeeze %dma_wait3A_496 : memref<1x8x2048xf32, #tpu.memory_space<hbm>> -> memref<8x2048xf32, #tpu.memory_space<hbm>>
    %dma_wait3A_498 = arith.constant 0 : i32
    %dma_wait3A_499 = arith.constant 0 : i32
    %dma_wait3A_500 = tpu.memref_slice %arg7[%dma_wait3A_498, %dma_wait3A_499] : memref<24x2048xf32, #tpu.memory_space<vmem>> -> memref<8x2048xf32, #tpu.memory_space<vmem>>
    tpu.wait_dma2 semaphore(%arg11 : memref<!tpu.dma_semaphore, #tpu.memory_space<semaphore_mem>>) src(%dma_wait3A_500 : memref<8x2048xf32, #tpu.memory_space<vmem>>) dst(%dma_wait3A_497 : memref<8x2048xf32, #tpu.memory_space<hbm>>)
    return
  }
}

module attributes {stable_mosaic.version = 14 : i64} {
  func.func @_qfeat_body(%arg0: i32, %arg1: memref<8x128x2048xf32, #tpu.memory_space<vmem>>, %arg2: memref<8x1x128xf32, #tpu.memory_space<vmem>>, %arg3: memref<1024x2048xf32, #tpu.memory_space<vmem>>, %arg4: memref<1x1024xf32, #tpu.memory_space<vmem>>, %arg5: memref<8x1024xf32, #tpu.memory_space<vmem>>) attributes {dimension_semantics = [#tpu.dimension_semantics<arbitrary>], iteration_bounds = array<i64: 8>, scalar_prefetch = 0 : i64, scratch_operands = 0 : i64, tpu.core_type = #tpu.core_type<tc>, window_params = [{transform_indices = @transform_0, window_bounds = array<i64: 8, 128, 2048>}, {transform_indices = @transform_1, window_bounds = array<i64: 8, 1, 128>}, {pipeline_mode = #tpu.pipeline_mode<synchronous>, transform_indices = @transform_2, window_bounds = array<i64: 1024, 2048>}, {pipeline_mode = #tpu.pipeline_mode<synchronous>, transform_indices = @transform_3, window_bounds = array<i64: 1, 1024>}, {transform_indices = @transform_4, window_bounds = array<i64: 8, 1024>}]} {
    %get3A = arith.constant 0 : index
    %get3A_0 = arith.constant 0 : index
    %get3A_1 = arith.constant 0 : index
    %get3A_2 = vector.load %arg2[%get3A, %get3A_0, %get3A_1] : memref<8x1x128xf32, #tpu.memory_space<vmem>>, vector<1x1x128xf32>
    %get3A_3 = vector.shape_cast %get3A_2 : vector<1x1x128xf32> to vector<1x128xf32>
    %reduce_sum3A = vector.shape_cast %get3A_3 : vector<1x128xf32> to vector<1x1x128xf32>
    %reduce_sum3A_4 = arith.constant dense<0.000000e+00> : vector<1xf32>
    %reduce_sum3A_5 = vector.multi_reduction <add>, %reduce_sum3A, %reduce_sum3A_4 [1, 2] : vector<1x1x128xf32> to vector<1xf32>
    %reduce_sum3A_6 = vector.shape_cast %reduce_sum3A_5 : vector<1xf32> to vector<1x1x1xf32>
    %reduce_sum3A_7 = vector.extract %reduce_sum3A_6[0, 0, 0] : f32 from vector<1x1x1xf32>
    %max3A = arith.constant 1.000000e+00 : f32
    %max3A_8 = arith.maximumf %reduce_sum3A_7, %max3A : f32
    %get3A_9 = arith.constant 0 : index
    %get3A_10 = arith.constant 0 : index
    %get3A_11 = arith.constant 0 : index
    %get3A_12 = vector.load %arg1[%get3A_9, %get3A_10, %get3A_11] : memref<8x128x2048xf32, #tpu.memory_space<vmem>>, vector<1x128x2048xf32>
    %get3A_13 = vector.shape_cast %get3A_12 : vector<1x128x2048xf32> to vector<128x2048xf32>
    %dot_general3A = arith.constant dense<0.000000e+00> : vector<1x2048xf32>
    %dot_general3A_14 = tpu.matmul %get3A_3, %get3A_13, %dot_general3A {dimension_numbers = #tpu.dot_dimension_numbers<[1], [0], [0], [1], [0, 0, 1, 1], [], []>, transpose_lhs_hint = false} : vector<1x128xf32>, vector<128x2048xf32>, vector<1x2048xf32> -> vector<1x2048xf32>
    %div3A = vector.broadcast %max3A_8 : f32 to vector<1x2048xf32>
    %div3A_15 = arith.divf %dot_general3A_14, %div3A : vector<1x2048xf32>
    %get3A_16 = arith.constant 1 : index
    %get3A_17 = arith.constant 0 : index
    %get3A_18 = arith.constant 0 : index
    %get3A_19 = vector.load %arg2[%get3A_16, %get3A_17, %get3A_18] : memref<8x1x128xf32, #tpu.memory_space<vmem>>, vector<1x1x128xf32>
    %get3A_20 = vector.shape_cast %get3A_19 : vector<1x1x128xf32> to vector<1x128xf32>
    %reduce_sum3A_21 = vector.shape_cast %get3A_20 : vector<1x128xf32> to vector<1x1x128xf32>
    %reduce_sum3A_22 = arith.constant dense<0.000000e+00> : vector<1xf32>
    %reduce_sum3A_23 = vector.multi_reduction <add>, %reduce_sum3A_21, %reduce_sum3A_22 [1, 2] : vector<1x1x128xf32> to vector<1xf32>
    %reduce_sum3A_24 = vector.shape_cast %reduce_sum3A_23 : vector<1xf32> to vector<1x1x1xf32>
    %reduce_sum3A_25 = vector.extract %reduce_sum3A_24[0, 0, 0] : f32 from vector<1x1x1xf32>
    %max3A_26 = arith.constant 1.000000e+00 : f32
    %max3A_27 = arith.maximumf %reduce_sum3A_25, %max3A_26 : f32
    %get3A_28 = arith.constant 1 : index
    %get3A_29 = arith.constant 0 : index
    %get3A_30 = arith.constant 0 : index
    %get3A_31 = vector.load %arg1[%get3A_28, %get3A_29, %get3A_30] : memref<8x128x2048xf32, #tpu.memory_space<vmem>>, vector<1x128x2048xf32>
    %get3A_32 = vector.shape_cast %get3A_31 : vector<1x128x2048xf32> to vector<128x2048xf32>
    %dot_general3A_33 = arith.constant dense<0.000000e+00> : vector<1x2048xf32>
    %dot_general3A_34 = tpu.matmul %get3A_20, %get3A_32, %dot_general3A_33 {dimension_numbers = #tpu.dot_dimension_numbers<[1], [0], [0], [1], [0, 0, 1, 1], [], []>, transpose_lhs_hint = false} : vector<1x128xf32>, vector<128x2048xf32>, vector<1x2048xf32> -> vector<1x2048xf32>
    %div3A_35 = vector.broadcast %max3A_27 : f32 to vector<1x2048xf32>
    %div3A_36 = arith.divf %dot_general3A_34, %div3A_35 : vector<1x2048xf32>
    %get3A_37 = arith.constant 2 : index
    %get3A_38 = arith.constant 0 : index
    %get3A_39 = arith.constant 0 : index
    %get3A_40 = vector.load %arg2[%get3A_37, %get3A_38, %get3A_39] : memref<8x1x128xf32, #tpu.memory_space<vmem>>, vector<1x1x128xf32>
    %get3A_41 = vector.shape_cast %get3A_40 : vector<1x1x128xf32> to vector<1x128xf32>
    %reduce_sum3A_42 = vector.shape_cast %get3A_41 : vector<1x128xf32> to vector<1x1x128xf32>
    %reduce_sum3A_43 = arith.constant dense<0.000000e+00> : vector<1xf32>
    %reduce_sum3A_44 = vector.multi_reduction <add>, %reduce_sum3A_42, %reduce_sum3A_43 [1, 2] : vector<1x1x128xf32> to vector<1xf32>
    %reduce_sum3A_45 = vector.shape_cast %reduce_sum3A_44 : vector<1xf32> to vector<1x1x1xf32>
    %reduce_sum3A_46 = vector.extract %reduce_sum3A_45[0, 0, 0] : f32 from vector<1x1x1xf32>
    %max3A_47 = arith.constant 1.000000e+00 : f32
    %max3A_48 = arith.maximumf %reduce_sum3A_46, %max3A_47 : f32
    %get3A_49 = arith.constant 2 : index
    %get3A_50 = arith.constant 0 : index
    %get3A_51 = arith.constant 0 : index
    %get3A_52 = vector.load %arg1[%get3A_49, %get3A_50, %get3A_51] : memref<8x128x2048xf32, #tpu.memory_space<vmem>>, vector<1x128x2048xf32>
    %get3A_53 = vector.shape_cast %get3A_52 : vector<1x128x2048xf32> to vector<128x2048xf32>
    %dot_general3A_54 = arith.constant dense<0.000000e+00> : vector<1x2048xf32>
    %dot_general3A_55 = tpu.matmul %get3A_41, %get3A_53, %dot_general3A_54 {dimension_numbers = #tpu.dot_dimension_numbers<[1], [0], [0], [1], [0, 0, 1, 1], [], []>, transpose_lhs_hint = false} : vector<1x128xf32>, vector<128x2048xf32>, vector<1x2048xf32> -> vector<1x2048xf32>
    %div3A_56 = vector.broadcast %max3A_48 : f32 to vector<1x2048xf32>
    %div3A_57 = arith.divf %dot_general3A_55, %div3A_56 : vector<1x2048xf32>
    %get3A_58 = arith.constant 3 : index
    %get3A_59 = arith.constant 0 : index
    %get3A_60 = arith.constant 0 : index
    %get3A_61 = vector.load %arg2[%get3A_58, %get3A_59, %get3A_60] : memref<8x1x128xf32, #tpu.memory_space<vmem>>, vector<1x1x128xf32>
    %get3A_62 = vector.shape_cast %get3A_61 : vector<1x1x128xf32> to vector<1x128xf32>
    %reduce_sum3A_63 = vector.shape_cast %get3A_62 : vector<1x128xf32> to vector<1x1x128xf32>
    %reduce_sum3A_64 = arith.constant dense<0.000000e+00> : vector<1xf32>
    %reduce_sum3A_65 = vector.multi_reduction <add>, %reduce_sum3A_63, %reduce_sum3A_64 [1, 2] : vector<1x1x128xf32> to vector<1xf32>
    %reduce_sum3A_66 = vector.shape_cast %reduce_sum3A_65 : vector<1xf32> to vector<1x1x1xf32>
    %reduce_sum3A_67 = vector.extract %reduce_sum3A_66[0, 0, 0] : f32 from vector<1x1x1xf32>
    %max3A_68 = arith.constant 1.000000e+00 : f32
    %max3A_69 = arith.maximumf %reduce_sum3A_67, %max3A_68 : f32
    %get3A_70 = arith.constant 3 : index
    %get3A_71 = arith.constant 0 : index
    %get3A_72 = arith.constant 0 : index
    %get3A_73 = vector.load %arg1[%get3A_70, %get3A_71, %get3A_72] : memref<8x128x2048xf32, #tpu.memory_space<vmem>>, vector<1x128x2048xf32>
    %get3A_74 = vector.shape_cast %get3A_73 : vector<1x128x2048xf32> to vector<128x2048xf32>
    %dot_general3A_75 = arith.constant dense<0.000000e+00> : vector<1x2048xf32>
    %dot_general3A_76 = tpu.matmul %get3A_62, %get3A_74, %dot_general3A_75 {dimension_numbers = #tpu.dot_dimension_numbers<[1], [0], [0], [1], [0, 0, 1, 1], [], []>, transpose_lhs_hint = false} : vector<1x128xf32>, vector<128x2048xf32>, vector<1x2048xf32> -> vector<1x2048xf32>
    %div3A_77 = vector.broadcast %max3A_69 : f32 to vector<1x2048xf32>
    %div3A_78 = arith.divf %dot_general3A_76, %div3A_77 : vector<1x2048xf32>
    %get3A_79 = arith.constant 4 : index
    %get3A_80 = arith.constant 0 : index
    %get3A_81 = arith.constant 0 : index
    %get3A_82 = vector.load %arg2[%get3A_79, %get3A_80, %get3A_81] : memref<8x1x128xf32, #tpu.memory_space<vmem>>, vector<1x1x128xf32>
    %get3A_83 = vector.shape_cast %get3A_82 : vector<1x1x128xf32> to vector<1x128xf32>
    %reduce_sum3A_84 = vector.shape_cast %get3A_83 : vector<1x128xf32> to vector<1x1x128xf32>
    %reduce_sum3A_85 = arith.constant dense<0.000000e+00> : vector<1xf32>
    %reduce_sum3A_86 = vector.multi_reduction <add>, %reduce_sum3A_84, %reduce_sum3A_85 [1, 2] : vector<1x1x128xf32> to vector<1xf32>
    %reduce_sum3A_87 = vector.shape_cast %reduce_sum3A_86 : vector<1xf32> to vector<1x1x1xf32>
    %reduce_sum3A_88 = vector.extract %reduce_sum3A_87[0, 0, 0] : f32 from vector<1x1x1xf32>
    %max3A_89 = arith.constant 1.000000e+00 : f32
    %max3A_90 = arith.maximumf %reduce_sum3A_88, %max3A_89 : f32
    %get3A_91 = arith.constant 4 : index
    %get3A_92 = arith.constant 0 : index
    %get3A_93 = arith.constant 0 : index
    %get3A_94 = vector.load %arg1[%get3A_91, %get3A_92, %get3A_93] : memref<8x128x2048xf32, #tpu.memory_space<vmem>>, vector<1x128x2048xf32>
    %get3A_95 = vector.shape_cast %get3A_94 : vector<1x128x2048xf32> to vector<128x2048xf32>
    %dot_general3A_96 = arith.constant dense<0.000000e+00> : vector<1x2048xf32>
    %dot_general3A_97 = tpu.matmul %get3A_83, %get3A_95, %dot_general3A_96 {dimension_numbers = #tpu.dot_dimension_numbers<[1], [0], [0], [1], [0, 0, 1, 1], [], []>, transpose_lhs_hint = false} : vector<1x128xf32>, vector<128x2048xf32>, vector<1x2048xf32> -> vector<1x2048xf32>
    %div3A_98 = vector.broadcast %max3A_90 : f32 to vector<1x2048xf32>
    %div3A_99 = arith.divf %dot_general3A_97, %div3A_98 : vector<1x2048xf32>
    %get3A_100 = arith.constant 5 : index
    %get3A_101 = arith.constant 0 : index
    %get3A_102 = arith.constant 0 : index
    %get3A_103 = vector.load %arg2[%get3A_100, %get3A_101, %get3A_102] : memref<8x1x128xf32, #tpu.memory_space<vmem>>, vector<1x1x128xf32>
    %get3A_104 = vector.shape_cast %get3A_103 : vector<1x1x128xf32> to vector<1x128xf32>
    %reduce_sum3A_105 = vector.shape_cast %get3A_104 : vector<1x128xf32> to vector<1x1x128xf32>
    %reduce_sum3A_106 = arith.constant dense<0.000000e+00> : vector<1xf32>
    %reduce_sum3A_107 = vector.multi_reduction <add>, %reduce_sum3A_105, %reduce_sum3A_106 [1, 2] : vector<1x1x128xf32> to vector<1xf32>
    %reduce_sum3A_108 = vector.shape_cast %reduce_sum3A_107 : vector<1xf32> to vector<1x1x1xf32>
    %reduce_sum3A_109 = vector.extract %reduce_sum3A_108[0, 0, 0] : f32 from vector<1x1x1xf32>
    %max3A_110 = arith.constant 1.000000e+00 : f32
    %max3A_111 = arith.maximumf %reduce_sum3A_109, %max3A_110 : f32
    %get3A_112 = arith.constant 5 : index
    %get3A_113 = arith.constant 0 : index
    %get3A_114 = arith.constant 0 : index
    %get3A_115 = vector.load %arg1[%get3A_112, %get3A_113, %get3A_114] : memref<8x128x2048xf32, #tpu.memory_space<vmem>>, vector<1x128x2048xf32>
    %get3A_116 = vector.shape_cast %get3A_115 : vector<1x128x2048xf32> to vector<128x2048xf32>
    %dot_general3A_117 = arith.constant dense<0.000000e+00> : vector<1x2048xf32>
    %dot_general3A_118 = tpu.matmul %get3A_104, %get3A_116, %dot_general3A_117 {dimension_numbers = #tpu.dot_dimension_numbers<[1], [0], [0], [1], [0, 0, 1, 1], [], []>, transpose_lhs_hint = false} : vector<1x128xf32>, vector<128x2048xf32>, vector<1x2048xf32> -> vector<1x2048xf32>
    %div3A_119 = vector.broadcast %max3A_111 : f32 to vector<1x2048xf32>
    %div3A_120 = arith.divf %dot_general3A_118, %div3A_119 : vector<1x2048xf32>
    %get3A_121 = arith.constant 6 : index
    %get3A_122 = arith.constant 0 : index
    %get3A_123 = arith.constant 0 : index
    %get3A_124 = vector.load %arg2[%get3A_121, %get3A_122, %get3A_123] : memref<8x1x128xf32, #tpu.memory_space<vmem>>, vector<1x1x128xf32>
    %get3A_125 = vector.shape_cast %get3A_124 : vector<1x1x128xf32> to vector<1x128xf32>
    %reduce_sum3A_126 = vector.shape_cast %get3A_125 : vector<1x128xf32> to vector<1x1x128xf32>
    %reduce_sum3A_127 = arith.constant dense<0.000000e+00> : vector<1xf32>
    %reduce_sum3A_128 = vector.multi_reduction <add>, %reduce_sum3A_126, %reduce_sum3A_127 [1, 2] : vector<1x1x128xf32> to vector<1xf32>
    %reduce_sum3A_129 = vector.shape_cast %reduce_sum3A_128 : vector<1xf32> to vector<1x1x1xf32>
    %reduce_sum3A_130 = vector.extract %reduce_sum3A_129[0, 0, 0] : f32 from vector<1x1x1xf32>
    %max3A_131 = arith.constant 1.000000e+00 : f32
    %max3A_132 = arith.maximumf %reduce_sum3A_130, %max3A_131 : f32
    %get3A_133 = arith.constant 6 : index
    %get3A_134 = arith.constant 0 : index
    %get3A_135 = arith.constant 0 : index
    %get3A_136 = vector.load %arg1[%get3A_133, %get3A_134, %get3A_135] : memref<8x128x2048xf32, #tpu.memory_space<vmem>>, vector<1x128x2048xf32>
    %get3A_137 = vector.shape_cast %get3A_136 : vector<1x128x2048xf32> to vector<128x2048xf32>
    %dot_general3A_138 = arith.constant dense<0.000000e+00> : vector<1x2048xf32>
    %dot_general3A_139 = tpu.matmul %get3A_125, %get3A_137, %dot_general3A_138 {dimension_numbers = #tpu.dot_dimension_numbers<[1], [0], [0], [1], [0, 0, 1, 1], [], []>, transpose_lhs_hint = false} : vector<1x128xf32>, vector<128x2048xf32>, vector<1x2048xf32> -> vector<1x2048xf32>
    %div3A_140 = vector.broadcast %max3A_132 : f32 to vector<1x2048xf32>
    %div3A_141 = arith.divf %dot_general3A_139, %div3A_140 : vector<1x2048xf32>
    %get3A_142 = arith.constant 7 : index
    %get3A_143 = arith.constant 0 : index
    %get3A_144 = arith.constant 0 : index
    %get3A_145 = vector.load %arg2[%get3A_142, %get3A_143, %get3A_144] : memref<8x1x128xf32, #tpu.memory_space<vmem>>, vector<1x1x128xf32>
    %get3A_146 = vector.shape_cast %get3A_145 : vector<1x1x128xf32> to vector<1x128xf32>
    %reduce_sum3A_147 = vector.shape_cast %get3A_146 : vector<1x128xf32> to vector<1x1x128xf32>
    %reduce_sum3A_148 = arith.constant dense<0.000000e+00> : vector<1xf32>
    %reduce_sum3A_149 = vector.multi_reduction <add>, %reduce_sum3A_147, %reduce_sum3A_148 [1, 2] : vector<1x1x128xf32> to vector<1xf32>
    %reduce_sum3A_150 = vector.shape_cast %reduce_sum3A_149 : vector<1xf32> to vector<1x1x1xf32>
    %reduce_sum3A_151 = vector.extract %reduce_sum3A_150[0, 0, 0] : f32 from vector<1x1x1xf32>
    %max3A_152 = arith.constant 1.000000e+00 : f32
    %max3A_153 = arith.maximumf %reduce_sum3A_151, %max3A_152 : f32
    %get3A_154 = arith.constant 7 : index
    %get3A_155 = arith.constant 0 : index
    %get3A_156 = arith.constant 0 : index
    %get3A_157 = vector.load %arg1[%get3A_154, %get3A_155, %get3A_156] : memref<8x128x2048xf32, #tpu.memory_space<vmem>>, vector<1x128x2048xf32>
    %get3A_158 = vector.shape_cast %get3A_157 : vector<1x128x2048xf32> to vector<128x2048xf32>
    %dot_general3A_159 = arith.constant dense<0.000000e+00> : vector<1x2048xf32>
    %dot_general3A_160 = tpu.matmul %get3A_146, %get3A_158, %dot_general3A_159 {dimension_numbers = #tpu.dot_dimension_numbers<[1], [0], [0], [1], [0, 0, 1, 1], [], []>, transpose_lhs_hint = false} : vector<1x128xf32>, vector<128x2048xf32>, vector<1x2048xf32> -> vector<1x2048xf32>
    %div3A_161 = vector.broadcast %max3A_153 : f32 to vector<1x2048xf32>
    %div3A_162 = arith.divf %dot_general3A_160, %div3A_161 : vector<1x2048xf32>
    %concatenate3A = tpu.concatenate %div3A_15, %div3A_36, %div3A_57, %div3A_78, %div3A_99, %div3A_120, %div3A_141, %div3A_162 in 0 : vector<1x2048xf32>, vector<1x2048xf32>, vector<1x2048xf32>, vector<1x2048xf32>, vector<1x2048xf32>, vector<1x2048xf32>, vector<1x2048xf32>, vector<1x2048xf32> -> vector<8x2048xf32>
    %get3A_163 = arith.constant 0 : index
    %get3A_164 = arith.constant 0 : index
    %get3A_165 = vector.load %arg3[%get3A_163, %get3A_164] : memref<1024x2048xf32, #tpu.memory_space<vmem>>, vector<1024x2048xf32>
    %dot_general3A_166 = arith.constant dense<0.000000e+00> : vector<8x1024xf32>
    %dot_general3A_167 = tpu.matmul %concatenate3A, %get3A_165, %dot_general3A_166 {dimension_numbers = #tpu.dot_dimension_numbers<[1], [1], [0], [0], [0, 0, 1, 0], [], []>, transpose_lhs_hint = false} : vector<8x2048xf32>, vector<1024x2048xf32>, vector<8x1024xf32> -> vector<8x1024xf32>
    %get3A_168 = arith.constant 0 : index
    %get3A_169 = arith.constant 0 : index
    %get3A_170 = vector.load %arg4[%get3A_168, %get3A_169] : memref<1x1024xf32, #tpu.memory_space<vmem>>, vector<1x1024xf32>
    %add3A = vector.broadcast %get3A_170 : vector<1x1024xf32> to vector<8x1024xf32>
    %add3A_171 = arith.addf %dot_general3A_167, %add3A : vector<8x1024xf32>
    %swap3A = arith.constant 0 : index
    %swap3A_172 = arith.constant 0 : index
    %swap3A_173 = vector.load %arg5[%swap3A, %swap3A_172] : memref<8x1024xf32, #tpu.memory_space<vmem>>, vector<8x1024xf32>
    tpu.vector_store %arg5[%swap3A, %swap3A_172], %add3A_171 {strides = array<i32>} : memref<8x1024xf32, #tpu.memory_space<vmem>>, vector<8x1024xf32>,
    return
  }
  func.func @transform_0(%arg0: i32) -> (i32, i32, i32) {
    %c0_i32 = arith.constant 0 : i32
    %c0_i32_0 = arith.constant 0 : i32
    %c0_i32_1 = arith.constant 0 : i32
    return %arg0, %c0_i32, %c0_i32_0 : i32, i32, i32
  }
  func.func @transform_1(%arg0: i32) -> (i32, i32, i32) {
    %c0_i32 = arith.constant 0 : i32
    %c0_i32_0 = arith.constant 0 : i32
    %c0_i32_1 = arith.constant 0 : i32
    return %arg0, %c0_i32, %c0_i32_0 : i32, i32, i32
  }
  func.func @transform_2(%arg0: i32) -> (i32, i32) {
    %c0_i32 = arith.constant 0 : i32
    %c0_i32_0 = arith.constant 0 : i32
    %c0_i32_1 = arith.constant 0 : i32
    return %c0_i32, %c0_i32_0 : i32, i32
  }
  func.func @transform_3(%arg0: i32) -> (i32, i32) {
    %c0_i32 = arith.constant 0 : i32
    %c0_i32_0 = arith.constant 0 : i32
    %c0_i32_1 = arith.constant 0 : i32
    return %c0_i32, %c0_i32_0 : i32, i32
  }
  func.func @transform_4(%arg0: i32) -> (i32, i32) {
    %c0_i32 = arith.constant 0 : i32
    %c0_i32_0 = arith.constant 0 : i32
    return %arg0, %c0_i32 : i32, i32
  }
}

module attributes {stable_mosaic.version = 14 : i64} {
  func.func @_score_topk_body(%arg0: i32, %arg1: memref<1x576x2048xf32, #tpu.memory_space<vmem>>, %arg2: memref<1x1x1024xf32, #tpu.memory_space<vmem>>, %arg3: memref<1024x2048xf32, #tpu.memory_space<vmem>>, %arg4: memref<1x1024xf32, #tpu.memory_space<vmem>>, %arg5: memref<1x1024xf32, #tpu.memory_space<vmem>>, %arg6: memref<1x1x128xi32, #tpu.memory_space<vmem>>) attributes {dimension_semantics = [#tpu.dimension_semantics<arbitrary>], iteration_bounds = array<i64: 64>, scalar_prefetch = 0 : i64, scratch_operands = 0 : i64, tpu.core_type = #tpu.core_type<tc>, window_params = [{transform_indices = @transform_0, window_bounds = array<i64: 1, 576, 2048>}, {transform_indices = @transform_1, window_bounds = array<i64: 1, 1, 1024>}, {pipeline_mode = #tpu.pipeline_mode<synchronous>, transform_indices = @transform_2, window_bounds = array<i64: 1024, 2048>}, {pipeline_mode = #tpu.pipeline_mode<synchronous>, transform_indices = @transform_3, window_bounds = array<i64: 1, 1024>}, {pipeline_mode = #tpu.pipeline_mode<synchronous>, transform_indices = @transform_4, window_bounds = array<i64: 1, 1024>}, {transform_indices = @transform_5, window_bounds = array<i64: 1, 1, 128>}]} {
    %get3A = arith.constant 0 : index
    %get3A_0 = arith.constant 0 : index
    %get3A_1 = arith.constant 0 : index
    %get3A_2 = vector.load %arg1[%get3A, %get3A_0, %get3A_1] : memref<1x576x2048xf32, #tpu.memory_space<vmem>>, vector<1x576x2048xf32>
    %get3A_3 = vector.shape_cast %get3A_2 : vector<1x576x2048xf32> to vector<576x2048xf32>
    %get3A_4 = arith.constant 0 : index
    %get3A_5 = arith.constant 0 : index
    %get3A_6 = arith.constant 0 : index
    %get3A_7 = vector.load %arg2[%get3A_4, %get3A_5, %get3A_6] : memref<1x1x1024xf32, #tpu.memory_space<vmem>>, vector<1x1x1024xf32>
    %get3A_8 = vector.shape_cast %get3A_7 : vector<1x1x1024xf32> to vector<1x1024xf32>
    %get3A_9 = arith.constant 0 : index
    %get3A_10 = arith.constant 0 : index
    %get3A_11 = vector.load %arg3[%get3A_9, %get3A_10] : memref<1024x2048xf32, #tpu.memory_space<vmem>>, vector<1024x2048xf32>
    %dot_general3A = arith.constant dense<0.000000e+00> : vector<576x1024xf32>
    %dot_general3A_12 = tpu.matmul %get3A_3, %get3A_11, %dot_general3A {dimension_numbers = #tpu.dot_dimension_numbers<[1], [1], [0], [0], [0, 0, 1, 0], [], []>, transpose_lhs_hint = false} : vector<576x2048xf32>, vector<1024x2048xf32>, vector<576x1024xf32> -> vector<576x1024xf32>
    %get3A_13 = arith.constant 0 : index
    %get3A_14 = arith.constant 0 : index
    %get3A_15 = vector.load %arg5[%get3A_13, %get3A_14] : memref<1x1024xf32, #tpu.memory_space<vmem>>, vector<1x1024xf32>
    %add3A = vector.broadcast %get3A_15 : vector<1x1024xf32> to vector<576x1024xf32>
    %add3A_16 = arith.addf %dot_general3A_12, %add3A : vector<576x1024xf32>
    %add3A_17 = vector.broadcast %get3A_8 : vector<1x1024xf32> to vector<576x1024xf32>
    %add3A_18 = arith.addf %add3A_16, %add3A_17 : vector<576x1024xf32>
    %tanh3A = math.tanh %add3A_18 : vector<576x1024xf32>
    %mul3A = arith.constant 5.000000e-01 : f32
    %mul3A_19 = vector.broadcast %mul3A : f32 to vector<576x1024xf32>
    %mul3A_20 = arith.mulf %tanh3A, %mul3A_19 : vector<576x1024xf32>
    %mul3A_21 = arith.constant 0.707106769 : f32
    %mul3A_22 = vector.broadcast %mul3A_21 : f32 to vector<576x1024xf32>
    %mul3A_23 = arith.mulf %tanh3A, %mul3A_22 : vector<576x1024xf32>
    %erf3A = math.erf %mul3A_23 : vector<576x1024xf32>
    %add3A_24 = arith.constant 1.000000e+00 : f32
    %add3A_25 = vector.broadcast %add3A_24 : f32 to vector<576x1024xf32>
    %add3A_26 = arith.addf %add3A_25, %erf3A : vector<576x1024xf32>
    %mul3A_27 = arith.mulf %mul3A_20, %add3A_26 : vector<576x1024xf32>
    %get3A_28 = arith.constant 0 : index
    %get3A_29 = arith.constant 0 : index
    %get3A_30 = vector.load %arg4[%get3A_28, %get3A_29] : memref<1x1024xf32, #tpu.memory_space<vmem>>, vector<1x1024xf32>
    %dot_general3A_31 = arith.constant dense<0.000000e+00> : vector<576x1xf32>
    %dot_general3A_32 = tpu.matmul %mul3A_27, %get3A_30, %dot_general3A_31 {dimension_numbers = #tpu.dot_dimension_numbers<[1], [1], [0], [0], [0, 0, 1, 0], [], []>, transpose_lhs_hint = false} : vector<576x1024xf32>, vector<1x1024xf32>, vector<576x1xf32> -> vector<576x1xf32>
    %iota3A = tpu.iota {dimensions = array<i32: 0>} : vector<576x576xi32>
    %iota3A_33 = tpu.iota {dimensions = array<i32: 1>} : vector<576x576xi32>
    %eq3A = arith.cmpi eq, %iota3A, %iota3A_33 : vector<576x576xi32>
    %convert_element_type3A = arith.extui %eq3A : vector<576x576xi1> to vector<576x576xi32>
    %convert_element_type3A_34 = arith.sitofp %convert_element_type3A : vector<576x576xi32> to vector<576x576xf32>
    %dot_general3A_35 = arith.constant dense<0.000000e+00> : vector<1x576xf32>
    %dot_general3A_36 = tpu.matmul %dot_general3A_32, %convert_element_type3A_34, %dot_general3A_35 {dimension_numbers = #tpu.dot_dimension_numbers<[0], [0], [1], [1], [0, 1, 1, 1], [], []>, transpose_lhs_hint = false} : vector<576x1xf32>, vector<576x576xf32>, vector<1x576xf32> -> vector<1x576xf32>
    %broadcast_in_dim3A = arith.constant 1.000000e+00 : f32
    %broadcast_in_dim3A_37 = vector.broadcast %broadcast_in_dim3A : f32 to vector<1x576xf32>
    %dot_general3A_38 = arith.constant dense<0.000000e+00> : vector<576x576xf32>
    %dot_general3A_39 = tpu.matmul %dot_general3A_32, %broadcast_in_dim3A_37, %dot_general3A_38 {dimension_numbers = #tpu.dot_dimension_numbers<[1], [0], [0], [1], [0, 0, 1, 1], [], []>, transpose_lhs_hint = false} : vector<576x1xf32>, vector<1x576xf32>, vector<576x576xf32> -> vector<576x576xf32>
    %gt3A = vector.broadcast %dot_general3A_36 : vector<1x576xf32> to vector<576x576xf32>
    %gt3A_40 = arith.cmpf ogt, %gt3A, %dot_general3A_39 : vector<576x576xf32>
    %eq3A_41 = vector.broadcast %dot_general3A_36 : vector<1x576xf32> to vector<576x576xf32>
    %eq3A_42 = arith.cmpf oeq, %eq3A_41, %dot_general3A_39 : vector<576x576xf32>
    %lt3A = arith.cmpi slt, %iota3A_33, %iota3A : vector<576x576xi32>
    %and3A = arith.andi %eq3A_42, %lt3A : vector<576x576xi1>
    %or3A = arith.ori %gt3A_40, %and3A : vector<576x576xi1>
    %convert_element_type3A_43 = arith.extui %or3A : vector<576x576xi1> to vector<576x576xi32>
    %convert_element_type3A_44 = arith.sitofp %convert_element_type3A_43 : vector<576x576xi32> to vector<576x576xf32>
    %reduce_sum3A = arith.constant dense<0.000000e+00> : vector<576xf32>
    %reduce_sum3A_45 = vector.multi_reduction <add>, %convert_element_type3A_44, %reduce_sum3A [1] : vector<576x576xf32> to vector<576xf32>
    %broadcast_in_dim3A_46 = vector.shape_cast %reduce_sum3A_45 : vector<576xf32> to vector<576x1xf32>
    %broadcast_in_dim3A_47 = arith.constant 1.000000e+00 : f32
    %broadcast_in_dim3A_48 = vector.broadcast %broadcast_in_dim3A_47 : f32 to vector<1x128xf32>
    %dot_general3A_49 = arith.constant dense<0.000000e+00> : vector<576x128xf32>
    %dot_general3A_50 = tpu.matmul %broadcast_in_dim3A_46, %broadcast_in_dim3A_48, %dot_general3A_49 {dimension_numbers = #tpu.dot_dimension_numbers<[1], [0], [0], [1], [0, 0, 1, 1], [], []>, transpose_lhs_hint = false} : vector<576x1xf32>, vector<1x128xf32>, vector<576x128xf32> -> vector<576x128xf32>
    %iota3A_51 = tpu.iota {dimensions = array<i32: 0>} : vector<576x1xi32>
    %mul3A_52 = arith.constant 576 : i32
    %mul3A_53 = arith.muli %arg0, %mul3A_52 : i32
    %add3A_54 = vector.broadcast %mul3A_53 : i32 to vector<576x1xi32>
    %add3A_55 = arith.addi %iota3A_51, %add3A_54 : vector<576x1xi32>
    %convert_element_type3A_56 = arith.sitofp %add3A_55 : vector<576x1xi32> to vector<576x1xf32>
    %dot_general3A_57 = arith.constant dense<0.000000e+00> : vector<576x128xf32>
    %dot_general3A_58 = tpu.matmul %convert_element_type3A_56, %broadcast_in_dim3A_48, %dot_general3A_57 {dimension_numbers = #tpu.dot_dimension_numbers<[1], [0], [0], [1], [0, 0, 1, 1], [], []>, transpose_lhs_hint = false} : vector<576x1xf32>, vector<1x128xf32>, vector<576x128xf32> -> vector<576x128xf32>
    %iota3A_59 = tpu.iota {dimensions = array<i32: 1>} : vector<1x128xi32>
    %convert_element_type3A_60 = arith.sitofp %iota3A_59 : vector<1x128xi32> to vector<1x128xf32>
    %eq3A_61 = vector.broadcast %convert_element_type3A_60 : vector<1x128xf32> to vector<576x128xf32>
    %eq3A_62 = arith.cmpf oeq, %dot_general3A_50, %eq3A_61 : vector<576x128xf32>
    %convert_element_type3A_63 = arith.extui %eq3A_62 : vector<576x128xi1> to vector<576x128xi32>
    %convert_element_type3A_64 = arith.sitofp %convert_element_type3A_63 : vector<576x128xi32> to vector<576x128xf32>
    %mul3A_65 = arith.mulf %convert_element_type3A_64, %dot_general3A_58 : vector<576x128xf32>
    %reduce_sum3A_66 = arith.constant dense<0.000000e+00> : vector<128xf32>
    %reduce_sum3A_67 = vector.multi_reduction <add>, %mul3A_65, %reduce_sum3A_66 [0] : vector<576x128xf32> to vector<128xf32>
    %broadcast_in_dim3A_68 = vector.shape_cast %reduce_sum3A_67 : vector<128xf32> to vector<1x128xf32>
    %convert_element_type3A_69 = arith.fptosi %broadcast_in_dim3A_68 : vector<1x128xf32> to vector<1x128xi32>
    %swap3A = arith.constant 0 : index
    %swap3A_70 = arith.constant 0 : index
    %swap3A_71 = arith.constant 0 : index
    %swap3A_72 = vector.load %arg6[%swap3A, %swap3A_70, %swap3A_71] : memref<1x1x128xi32, #tpu.memory_space<vmem>>, vector<1x1x128xi32>
    %swap3A_73 = vector.shape_cast %swap3A_72 : vector<1x1x128xi32> to vector<1x128xi32>
    %swap3A_74 = vector.shape_cast %convert_element_type3A_69 : vector<1x128xi32> to vector<1x1x128xi32>
    tpu.vector_store %arg6[%swap3A, %swap3A_70, %swap3A_71], %swap3A_74 {strides = array<i32>} : memref<1x1x128xi32, #tpu.memory_space<vmem>>, vector<1x1x128xi32>,
    return
  }
  func.func @transform_0(%arg0: i32) -> (i32, i32, i32) {
    %c0_i32 = arith.constant 0 : i32
    %c0_i32_0 = arith.constant 0 : i32
    %c0_i32_1 = arith.constant 0 : i32
    return %arg0, %c0_i32, %c0_i32_0 : i32, i32, i32
  }
  func.func @transform_1(%arg0: i32) -> (i32, i32, i32) {
    %c0_i32 = arith.constant 0 : i32
    %c0_i32_0 = arith.constant 0 : i32
    %c0_i32_1 = arith.constant 0 : i32
    return %arg0, %c0_i32, %c0_i32_0 : i32, i32, i32
  }
  func.func @transform_2(%arg0: i32) -> (i32, i32) {
    %c0_i32 = arith.constant 0 : i32
    %c0_i32_0 = arith.constant 0 : i32
    %c0_i32_1 = arith.constant 0 : i32
    return %c0_i32, %c0_i32_0 : i32, i32
  }
  func.func @transform_3(%arg0: i32) -> (i32, i32) {
    %c0_i32 = arith.constant 0 : i32
    %c0_i32_0 = arith.constant 0 : i32
    %c0_i32_1 = arith.constant 0 : i32
    return %c0_i32, %c0_i32_0 : i32, i32
  }
  func.func @transform_4(%arg0: i32) -> (i32, i32) {
    %c0_i32 = arith.constant 0 : i32
    %c0_i32_0 = arith.constant 0 : i32
    %c0_i32_1 = arith.constant 0 : i32
    return %c0_i32, %c0_i32_0 : i32, i32
  }
  func.func @transform_5(%arg0: i32) -> (i32, i32, i32) {
    %c0_i32 = arith.constant 0 : i32
    %c0_i32_0 = arith.constant 0 : i32
    %c0_i32_1 = arith.constant 0 : i32
    return %arg0, %c0_i32, %c0_i32_0 : i32, i32, i32
  }
}

</mosaic_0001>

<sc_bundles>
// kernel: kernel.5.cloned.1.call-start
scs
__scs_entry_jumppad:
0x0: {  	(pc) =	sbr.rel $0x88, $3  }
0x1: {  	(tag) =	ssettag $0x0;
	lr =	simm.s32 $0x1  }
0x2: {  	[smem:$0x3F99] =	sst lr;
	_ =	strace $0xD0000000  }
0x3: {  	_ = 	snop  }
0x4: {  	_ = 	snop  }
0x5: {  	_ = 	snop  }
0x6: {  	_ = 	snop  }
0x7: {  	_ = 	snop  }
__scs_overlays_trampoline_lowered:
0x8: {  	[smem:$0x3FA8] =	sst s0  }
0x9: {  	[smem:$0x3FA9] =	sst s1  }
0xa: {  	[smem:$0x3FAA] =	sst s2  }
0xb: {  	[smem:$0x3FAB] =	sst s3  }
0xc: {  	[smem:$0x3FAC] =	sst s4  }
0xd: {  	[smem:$0x3FAD] =	sst s5  }
0xe: {  	[smem:$0x3FAE] =	sst s6  }
0xf: {  	[smem:$0x3FAF] =	sst s7  }
0x10: {  	[smem:$0x3FB0] =	sst s8  }
0x11: {  	[smem:$0x3FB1] =	sst s9;
	s0 =	simm.s32 @!p0 $0x0  }
0x12: {  	s1 =	sld [smem:$0x3F97];
	s0 =	simm.s32 @p0 $0x1  }
0x13: {  	[smem:$0x3FB2] =	sst s0;
	s0 =	simm.s32 @!p1 $0x0  }
0x14: {  	s2 =	sld [smem:$0x3F96];
	s0 =	simm.s32 @p1 $0x1  }
0x15: {  	[smem:$0x3FB3] =	sst s0;
	s0 =	simm.s32 @!p2 $0x0  }
0x16: {  	s3 =	sld [smem:$0x3FDB];
	s0 =	simm.s32 @p2 $0x1  }
0x17: {  	s4 =	simm.s32 $0x1BF5;
	[smem:$0x3FB5] =	sst s0  }
0x18: {  	s0 =	sld [smem:$0x3F98];
	_ =	swait.ge [sflag:s4], $0x0  }
0x19: {  	s7 =	sld [smem:$0x3F99]  }
0x1a: {  	s8 =	sadd.s32 $0xFFFFE003, lr  }
0x1b: {  	s9 =	sadd.s32 $0xFFFFFEF7, lr;
	s5 =	simm.s32 $0xFFFFFFFF;
	p2 =	slt.u32 s8, $0xFFFFF086  }
0x1c: {  	p1 =	slt.u32 s9, $0xF7A;
	s5 =	simm.s32 @!p2 $0x0  }
0x1d: {  	s5 =	simm.s32 @p1 $0x1;
	p0 =	seq.s32 s7, s2  }
0x1e: {  	s7 =	smul.u32 @!p0 $0xF7A, s2;
	p2 =	seq.s32 @!p0 s5, $0x0  }
0x1f: {  	s9 =	smul.u32 $0xF7A, s1;
	s8 =	simm.s32 @!p0 $0x1BF5;
	p2 =	por !p2, p0  }
0x20: {  	[sflag:s8] =	ssyncset.s32 @!p0 $0xFFFFF086;
	s6 =	sadd.s32 @!p0 s3, s7;
	s7 =	simm.s32 @!p0 $0x108  }
0x21: {  	s3 =	sadd.s32 s3, s9;
	s6 =	sadd.s32 @!p0 $0x88, s6;
	s7 =	simm.s32 @p2 $0x1082  }
0x22: {  	[simem:s7], [sflag:s8] =	dma.local @!p0 [hbm:s6], $0xF7A  }
0x23: {  	s9 =	sor.u32 $0xD0000000, s2;
	s6 =	simm.s32 $0x108;
	_ =	swait.ge @!p0 [sflag:s8], $0x0  }
0x24: {  	s3 =	sadd.s32 $0x88, s3;
	s6 =	simm.s32 @!p1 $0x1082;
	[sflag:s4] =	ssyncset.s32 $0xFFFFF086  }
0x25: {  	[simem:s6], [sflag:s4] =	dma.local [hbm:s3], $0xF7A  }
0x26: {  	[smem:$0x3F99] =	sst s1;
	(tag) =	ssettag s2;
	_ =	strace s9  }
0x27: {  	s1 =	sld [smem:$0x3FA9]  }
0x28: {  	s2 =	sld [smem:$0x3FAA]  }
0x29: {  	s4 =	sld [smem:$0x3FAC]  }
0x2a: {  	p0 =	seq.s32 s5, $0x0;
	s5 =	sld [smem:$0x3FAD]  }
0x2b: {  	s6 =	sld [smem:$0x3FAE]  }
0x2c: {  	s7 =	sld [smem:$0x3FAF]  }
0x2d: {  	s3 =	simm.s32 $0x108;
	s8 =	sld [smem:$0x3FB0]  }
0x2e: {  	s3 =	simm.s32 @!p0 $0x1082;
	s9 =	sld [smem:$0x3FB1]  }
0x2f: {  	lr =	sadd.s32 s0, s3;
	s0 =	sld [smem:$0x3FA8]  }
0x30: {  	s3 =	sld [smem:$0x3FAB]  }
0x31: {  	[smem:$0x3FB4] =	sst s10  }
0x32: {  	s10 =	sld [smem:$0x3FB2];
	_ =	sdelay $0x3  }
0x33: {  	p0 =	seq.s32 s10, $0x1;
	s10 =	sld [smem:$0x3FB4];
	_ =	sdelay $0x3  }
0x34: {  	[smem:$0x3FB4] =	sst s10  }
0x35: {  	s10 =	sld [smem:$0x3FB3];
	_ =	sdelay $0x3  }
0x36: {  	p1 =	seq.s32 s10, $0x1;
	s10 =	sld [smem:$0x3FB4];
	_ =	sdelay $0x3  }
0x37: {  	[smem:$0x3FB4] =	sst s10  }
0x38: {  	s10 =	sld [smem:$0x3FB5]  }
0x39: {  	_ = 	snop;
	(pc) =	sbr.ind lr, $3  }
0x3a: {  	_ = 	snop  }
0x3b: {  	_ = 	snop  }
0x3c: {  	p2 =	seq.s32 s10, $0x1;
	s10 =	sld [smem:$0x3FB4]  }
0x3d: {  	_ =	shalt  }
0x3e: {  	_ =	shalt  }
0x3f: {  	_ =	shalt  }
0x40: {  	_ =	shalt  }
0x41: {  	_ =	shalt  }
0x42: {  	_ =	shalt  }
0x43: {  	_ =	shalt  }
0x44: {  	_ =	shalt  }
0x45: {  	_ =	shalt  }
0x46: {  	_ =	shalt  }
0x47: {  	_ =	shalt  }
0x48: {  	_ =	shalt  }
0x49: {  	_ =	shalt  }
0x4a: {  	_ =	shalt  }
0x4b: {  	_ =	shalt  }
0x4c: {  	_ =	shalt  }
0x4d: {  	_ =	shalt  }
0x4e: {  	_ =	shalt  }
0x4f: {  	_ =	shalt  }
0x50: {  	_ =	shalt  }
0x51: {  	_ =	shalt  }
0x52: {  	_ =	shalt  }
0x53: {  	_ =	shalt  }
0x54: {  	_ =	shalt  }
0x55: {  	_ =	shalt  }
0x56: {  	_ =	shalt  }
0x57: {  	_ =	shalt  }
0x58: {  	_ =	shalt  }
0x59: {  	_ =	shalt  }
0x5a: {  	_ =	shalt  }
0x5b: {  	_ =	shalt  }
0x5c: {  	_ =	shalt  }
0x5d: {  	_ =	shalt  }
0x5e: {  	_ =	shalt  }
0x5f: {  	_ =	shalt  }
0x60: {  	_ =	shalt  }
0x61: {  	_ =	shalt  }
0x62: {  	_ =	shalt  }
0x63: {  	_ =	shalt  }
0x64: {  	_ =	shalt  }
0x65: {  	_ =	shalt  }
0x66: {  	_ =	shalt  }
0x67: {  	_ =	shalt  }
0x68: {  	_ =	shalt  }
0x69: {  	_ =	shalt  }
0x6a: {  	_ =	shalt  }
0x6b: {  	_ =	shalt  }
0x6c: {  	_ =	shalt  }
0x6d: {  	_ =	shalt  }
0x6e: {  	_ =	shalt  }
0x6f: {  	_ =	shalt  }
0x70: {  	_ =	shalt  }
0x71: {  	_ =	shalt  }
0x72: {  	_ =	shalt  }
0x73: {  	_ =	shalt  }
0x74: {  	_ =	shalt  }
0x75: {  	_ =	shalt  }
0x76: {  	_ =	shalt  }
0x77: {  	_ =	shalt  }
0x78: {  	_ =	shalt  }
0x79: {  	_ =	shalt  }
0x7a: {  	_ =	shalt  }
0x7b: {  	_ =	shalt  }
0x7c: {  	_ =	shalt  }
0x7d: {  	_ =	shalt  }
0x7e: {  	_ =	shalt  }
0x7f: {  	_ =	shalt  }
0x80: {  	_ =	shalt  }
0x81: {  	_ =	shalt  }
0x82: {  	_ =	shalt  }
0x83: {  	_ =	shalt  }
0x84: {  	_ =	shalt  }
0x85: {  	_ =	shalt  }
0x86: {  	_ =	shalt  }
0x87: {  	_ =	shalt  }
.Lfunc_end0:
.L_simem_size_0:
called_computation.1_lowered:
.L_overlay_start_0:
0x88: {  	s2 =	sld [smem:$0x3FD9]  }
0x89: {  	s3 =	sld [smem:$0x3FFE];
	_ =	sdelay $0x1  }
0x8a: {  	s1 =	srdreg.scid  }
0x8b: {  	s0 =	sand.u32 $0x1, s1  }
0x8c: {  	s14 =	sshll.u32 s0, $0xA;
	s2 =	sadd.s32 s3, s2  }
0x8d: {  	s2 =	sadd.s32 s2, s14  }
0x8e: {  	[smem:$0x3FC0] =	sst s2  }
0x8f: {  	_ = 	snop  }
0x90: {  	s2 =	sld [smem:$0x3FD0];
	_ =	sdelay $0x2  }
0x91: {  	s4 =	simm.s32 $0xA;
	s5 =	simm.s32 $0x10;
	s15 =	sld [smem:$0x3FC9]  }
0x92: {  	[smem:s5], [sflag:s4] =	dma.local [hbm:s2], $0x1  }
0x93: {  	_ =	swait.eq [sflag:s4], $0x1  }
0x94: {  	[sflag:s4] =	ssyncset.done $0x0  }
0x95: {  	[sflag:s4] =	ssyncadd.s32 $0xFFFFFFFF  }
0x96: {  	s16 =	sld [smem:$0x10];
	(tm) =	ssettm $0x1  }
0x97: {  	s17 =	sld [smem:$0x3FFB];
	_ =	sdelay $0x3  }
0x98: {  	_ =	strace s17  }
0x99: {  	s4 =	sld [smem:$0x3FFC];
	_ =	sdelay $0x3  }
0x9a: {  	_ =	strace s4  }
0x9b: {  	s4 =	sld [smem:$0x3FFD];
	_ =	sdelay $0x3  }
0x9c: {  	_ =	strace s4  }
0x9d: {  	_ =	strace $0x8FFFFFFF  }
0x9e: {  	s18 =	sld [smem:$0x3FDB];
	_ =	sdelay $0x1  }
0x9f: {  	s19 =	simm.s32 $_scs_section_size  }
0xa0: {  	s6 =	simm.s32 $_size__tile_overlayer_lowered;
	s7 =	simm.s32 $_tile_overlayer_lowered  }
0xa1: {  	s22 =	simm.s32 $0x1BFF;
	s21 =	sshll.u32 s7, $0x1;
	s4 =	sadd.s32 s19, s18  }
0xa2: {  	s8 =	simm.s32 $0x0;
	s20 =	sshll.u32 s6, $0x1;
	s6 =	sadd.s32 s21, s4  }
0xa3: {  	[timem:s8], [sflag:s22] =	dma.local [hbm:s6], s20  }
0xa4: {  	_ =	swait.ge [sflag:s22], s20  }
0xa5: {  	s5 =	ssub.s32 $0x0, s20;
	[sflag:s22] =	ssyncset.done $0x0  }
0xa6: {  	[sflag:s22] =	ssyncadd.s32 s5;
	_ =	sdelay $0x1  }
0xa7: {  	s23 =	simm.s32 $0x1B8B  }
0xa8: {  	_ =	swait.ge [sflag:s23], $0x1  }
0xa9: {  	[sflag:s23] =	ssyncset.done $0x0  }
0xaa: {  	s25 =	simm.s32 $0x1B8E;
	s24 =	sld [smem:$0x3FFE];
	[sflag:s23] =	ssyncadd.s32 $0xFFFFFFFF  }
0xab: {  	s26 =	simm.s32 $execute0_lowered;
	[smem:$0x3FD2] =	sst s25  }
0xac: {  	s6 =	sshll.u32 s26, $0x1;
	_ =	strace $0x80000046;
	[dreg:$0x1] =	wrdreg $0xFFFFFFFF  }
0xad: {  	s28 =	simm.s32 $_size_execute0_lowered;
	s4 =	sadd.s32 s4, s6;
	[dreg:$0x0] =	wrdreg $0x0  }
0xae: {  	s6 =	sshll.u32 s28, $0x1;
	[dreg:$0x2] =	wrdreg s4  }
0xaf: {  	[dreg:$0x3] =	wrdreg s6  }
0xb0: {  	[dreg:$0x4] =	wrdreg $0xC0  }
0xb1: {  	_ =	task [dreg:s8], $0x5FFFF  }
0xb2: {  	[dreg:$0x1] =	wrdreg $0xFFFFFFFF  }
0xb3: {  	[dreg:$0x0] =	wrdreg $0x60  }
0xb4: {  	[dreg:$0x2] =	wrdreg s15  }
0xb5: {  	[dreg:$0x3] =	wrdreg s16  }
0xb6: {  	[dreg:$0x4] =	wrdreg s24  }
0xb7: {  	[dreg:$0x5] =	wrdreg $0x9  }
0xb8: {  	_ =	task.clear_ibuf [dreg:s8], $0x6FFFF;
	_ =	strace $0x90000046  }
0xb9: {  	s29 =	simm.s32 $0x9;
	_ =	strace $0x80000048  }
0xba: {  	_ =	swait.ge [sflag:s29], $0x1  }
0xbb: {  	[sflag:s29] =	ssyncadd.s32 $0xFFFFFFFF  }
0xbc: {  	_ =	strace $0x90000048  }
0xbd: {  	_ =	sfence  }
0xbe: {  	s30 =	sld [smem:$0x0];
	_ =	sdelay $0x2  }
0xbf: {  	s31 =	sshll.u32 s1, $0xD;
	s1 =	sshrl.u32 s1, $0x2  }
0xc0: {  	s3 =	sand.u32 $0x4000, s31;
	s1 =	sadd.s32 s1, s30  }
0xc1: {  	s0 =	sor.u32 s3, s0;
	s1 =	sshll.u32 s1, $0x11  }
0xc2: {  	s0 =	sor.u32 s1, s0  }
0xc3: {  	s0 =	sadd.s32 $0x8F2B, s0  }
0xc4: {  	[sflag:s0] =	ssyncadd.remote.s32 $0x1  }
0xc5: {  	_ =	sfence.sel $0xFFFF  }
0xc6: {  	[dreg:$0x0] =	wrdreg $0xFFFFFFFF;
	(pc) =	sbr.abs _section_cstart, $3  }
0xc7: {  	[dreg:$0x1] =	wrdreg $0xFFFFFFFF  }
0xc8: {  	_ =	task.clear_ibuf [dreg:s8], $0x2FFFF;
	_ =	strace $0x9FFFFFFF  }
0xc9: {  	(tm) =	ssettm $0x7FFFFFFF  }
tec
execute0_lowered:
.L_overlay_start_1:
0x0: {  	(tag) =	ssettag $0x1  }
0x1: {  	s0 =	srdreg.scid;
	s2 =	stileid.u32  }
0x2: {  	s1 =	rddreg [dreg:$0x0];
	s0 =	sand.u32 $0x1, s0;
	s2 =	sshll.u32 s2, $0x1  }
0x3: {  	s4 =	rddreg [dreg:$0x1];
	s2 =	sor.u32 s0, s2  }
0x4: {  	s5 =	rddreg [dreg:$0x2];
	s6 =	smul.u32 $0x68000, s2  }
0x5: {  	s3 =	simm.s32 $0x0;
	s12 =	simm.s32 $0x2;
	s2 =	smul.u32 $0x1A, s2  }
0x6: {  	[smem:$0x7FF] =	sst s3;
	s7 =	sadd.s32 $0x400, s1;
	s6 =	sshrl.u32 s6, $0x3  }
0x7: {  	s8 =	sadd.s32 $0x500, s1;
	s2 =	sadd.s32 s4, s2;
	s9 =	sadd.s32 s6, s5  }
0x8: {  	_ =	strace $0x80000047;
	[dreg:$0x4] =	wrdreg s2;
	s20 =	sadd.s32 $0xE00, s9  }
0x9: {  	s10 =	sadd.s32 $0x700, s1;
	s21 =	sadd.s32 $0x2600, s9;
	[dreg:$0x5] =	wrdreg s20  }
0xa: {  	s0 =	ssub.s32 $0x2, s0;
	s22 =	sadd.s32 $0x3E00, s9;
	[dreg:$0x6] =	wrdreg s21  }
0xb: {  	s23 =	sshrl.u32 s0, $0x1;
	s24 =	sadd.s32 $0x5600, s9;
	[dreg:$0x7] =	wrdreg s22  }
0xc: {  	s0 =	ssub.s32 s0, s23;
	s25 =	sadd.s32 $0x6E00, s9;
	[dreg:$0x8] =	wrdreg s24  }
0xd: {  	s4 =	sadd.s32 $0x100, s1;
	s26 =	sadd.s32 $0x7600, s9;
	[dreg:$0x9] =	wrdreg s25  }
0xe: {  	s0 =	smax.u32 s0, $0x1;
	s28 =	sadd.s32 $0x8E00, s9;
	[dreg:$0xa] =	wrdreg s26  }
0xf: {  	s5 =	sadd.s32 $0x200, s1;
	s29 =	sadd.s32 $0xA600, s9;
	[dreg:$0xb] =	wrdreg s28  }
0x10: {  	v2 =	vlaneseq.u32;
	s6 =	sadd.s32 $0x300, s1;
	s30 =	sadd.s32 $0xBE00, s9;
	[dreg:$0xc] =	wrdreg s29  }
0x11: {  	vm0 =	vmmov $0xffff;
	v1 =	vshrl.u32 v2, $0x3;
	s31 =	sadd.s32 $0xD600, s9;
	s9 =	sadd.s32 $0x600, s1;
	[dreg:$0xd] =	wrdreg s30  }
0x12: {  	v0 =	vand.u32 $0x7, v2;
	v2 =	vor.u32 $0x8, v2;
	v1 =	vmul.u32 $0x8, v1;
	[dreg:$0xe] =	wrdreg s31;
	s21 =	simm.s32 $0x3;
	s22 =	simm.s32 $0x4  }
.LBB2_1:
0x13: {  	[dreg:$0xf] =	wrdreg s0  }
0x14: {  	s23 =	rddreg [dreg:$0x4];
	s2 =	simm.s32 $0x5  }
0x15: {  	[tilespmem:s3], [sflag:$0x5] =	stream.linear.gather [hbm4b:s23+s3], $0xD0, $0x38;
	[tilespmem:$0x18100] =	vst v63  }
0x16: {  	_ =	swait.ge [sflag:s2], $0xD0  }
0x17: {  	[sflag:s2] =	ssyncset.done $0x0  }
0x18: {  	[sflag:s2] =	ssyncadd.s32 $0xFFFFFF30  }
0x19: {  	v3 =	vld [tilespmem:$0x0];
	_ =	sdelay $0x4  }
0x1a: {  	v4 =	vshll.u32 v3, $0x4  }
0x1b: {  	v3 =	vand.u32 $0x7, v3;
	v4 =	vand.u32 $0xFFFFFF80, v4  }
0x1c: {  	v3 =	vor.u32 v3, v4  }
0x1d: {  	v4 =	vperm.xlane v3, v0;
	_ =	sdelay $0x1  }
0x1e: {  	v4 =	vadd.s32 v1, v4;
	_ =	sdelay $0x3  }
0x1f: {  	s11 =	simm.s32 $0x100  }
0x20: {  	[tilespmem:s11], [sflag:$0x1] =	stream.indirect_vreg.gather [hbm4b:s1+s3], $0x80, v4, vm0, $0xb8;
	[tilespmem:$0x18100] =	vst v63  }
0x21: {  	s13 =	simm.s32 $0x900  }
0x22: {  	[tilespmem:s13], [sflag:$0x1] =	stream.indirect_vreg.gather [hbm4b:s4+s3], $0x80, v4, vm0, $0xb8;
	[tilespmem:$0x18100] =	vst v63  }
0x23: {  	s14 =	simm.s32 $0x1100  }
0x24: {  	[tilespmem:s14], [sflag:$0x1] =	stream.indirect_vreg.gather [hbm4b:s5+s3], $0x80, v4, vm0, $0xb8;
	[tilespmem:$0x18100] =	vst v63  }
0x25: {  	s15 =	simm.s32 $0x1900  }
0x26: {  	[tilespmem:s15], [sflag:$0x1] =	stream.indirect_vreg.gather [hbm4b:s6+s3], $0x80, v4, vm0, $0xb8;
	[tilespmem:$0x18100] =	vst v63  }
0x27: {  	s16 =	simm.s32 $0x2100  }
0x28: {  	[tilespmem:s16], [sflag:$0x1] =	stream.indirect_vreg.gather [hbm4b:s7+s3], $0x80, v4, vm0, $0xb8;
	[tilespmem:$0x18100] =	vst v63  }
0x29: {  	s17 =	simm.s32 $0x2900;
	v3 =	vperm.xlane v3, v2  }
0x2a: {  	[tilespmem:s17], [sflag:$0x1] =	stream.indirect_vreg.gather [hbm4b:s8+s3], $0x80, v4, vm0, $0xb8;
	[tilespmem:$0x18100] =	vst v63  }
0x2b: {  	s20 =	simm.s32 $0x3100;
	v3 =	vadd.s32 v1, v3  }
0x2c: {  	[tilespmem:s20], [sflag:$0x1] =	stream.indirect_vreg.gather [hbm4b:s9+s3], $0x80, v4, vm0, $0xb8;
	[tilespmem:$0x18100] =	vst v63  }
0x2d: {  	s23 =	simm.s32 $0x3900  }
0x2e: {  	[tilespmem:s23], [sflag:$0x1] =	stream.indirect_vreg.gather [hbm4b:s10+s3], $0x80, v4, vm0, $0xb8;
	[tilespmem:$0x18100] =	vst v63  }
0x2f: {  	s25 =	simm.s32 $0x4100  }
0x30: {  	[tilespmem:s25], [sflag:$0x1] =	stream.indirect_vreg.gather [hbm4b:s1+s3], $0x80, v3, vm0, $0xb8;
	[tilespmem:$0x18100] =	vst v63  }
0x31: {  	s26 =	simm.s32 $0x4900  }
0x32: {  	[tilespmem:s26], [sflag:$0x1] =	stream.indirect_vreg.gather [hbm4b:s4+s3], $0x80, v3, vm0, $0xb8;
	[tilespmem:$0x18100] =	vst v63  }
0x33: {  	s28 =	simm.s32 $0x5100  }
0x34: {  	[tilespmem:s28], [sflag:$0x1] =	stream.indirect_vreg.gather [hbm4b:s5+s3], $0x80, v3, vm0, $0xb8;
	[tilespmem:$0x18100] =	vst v63  }
0x35: {  	s29 =	simm.s32 $0x5900  }
0x36: {  	[tilespmem:s29], [sflag:$0x1] =	stream.indirect_vreg.gather [hbm4b:s6+s3], $0x80, v3, vm0, $0xb8;
	[tilespmem:$0x18100] =	vst v63  }
0x37: {  	s30 =	simm.s32 $0x6100  }
0x38: {  	[tilespmem:s30], [sflag:$0x1] =	stream.indirect_vreg.gather [hbm4b:s7+s3], $0x80, v3, vm0, $0xb8;
	[tilespmem:$0x18100] =	vst v63  }
0x39: {  	s31 =	simm.s32 $0x6900  }
0x3a: {  	[tilespmem:s31], [sflag:$0x1] =	stream.indirect_vreg.gather [hbm4b:s8+s3], $0x80, v3, vm0, $0xb8;
	[tilespmem:$0x18100] =	vst v63  }
0x3b: {  	s2 =	simm.s32 $0x7100  }
0x3c: {  	[tilespmem:s2], [sflag:$0x1] =	stream.indirect_vreg.gather [hbm4b:s9+s3], $0x80, v3, vm0, $0xb8;
	[tilespmem:$0x18100] =	vst v63  }
0x3d: {  	s13 =	simm.s32 $0x7900  }
0x3e: {  	[tilespmem:s13], [sflag:$0x1] =	stream.indirect_vreg.gather [hbm4b:s10+s3], $0x80, v3, vm0, $0xb8;
	[tilespmem:$0x18100] =	vst v63  }
0x3f: {  	v3 =	vld.msk [tilespmem:$0x10], $0xff;
	_ =	sdelay $0x4  }
0x40: {  	v47 =	vshll.u32 v3, $0x4  }
0x41: {  	v3 =	vand.u32 $0x7, v3;
	v4 =	vand.u32 $0xFFFFFF80, v47  }
0x42: {  	v3 =	vor.u32 v3, v4  }
0x43: {  	v3 =	vperm.xlane v3, v0;
	_ =	sdelay $0x1  }
0x44: {  	v3 =	vadd.s32 v1, v3;
	_ =	sdelay $0x3  }
0x45: {  	s14 =	simm.s32 $0x8100  }
0x46: {  	[tilespmem:s14], [sflag:$0x1] =	stream.indirect_vreg.gather [hbm4b:s1+s3], $0x80, v3, vm0, $0xb8;
	[tilespmem:$0x18100] =	vst v63  }
0x47: {  	s23 =	simm.s32 $0x8900  }
0x48: {  	[tilespmem:s23], [sflag:$0x1] =	stream.indirect_vreg.gather [hbm4b:s4+s3], $0x80, v3, vm0, $0xb8;
	[tilespmem:$0x18100] =	vst v63  }
0x49: {  	s2 =	simm.s32 $0x9100  }
0x4a: {  	[tilespmem:s2], [sflag:$0x1] =	stream.indirect_vreg.gather [hbm4b:s5+s3], $0x80, v3, vm0, $0xb8;
	[tilespmem:$0x18100] =	vst v63  }
0x4b: {  	s14 =	simm.s32 $0x9900  }
0x4c: {  	[tilespmem:s14], [sflag:$0x1] =	stream.indirect_vreg.gather [hbm4b:s6+s3], $0x80, v3, vm0, $0xb8;
	[tilespmem:$0x18100] =	vst v63  }
0x4d: {  	s23 =	simm.s32 $0xA100  }
0x4e: {  	[tilespmem:s23], [sflag:$0x1] =	stream.indirect_vreg.gather [hbm4b:s7+s3], $0x80, v3, vm0, $0xb8;
	[tilespmem:$0x18100] =	vst v63  }
0x4f: {  	s2 =	simm.s32 $0xA900  }
0x50: {  	[tilespmem:s2], [sflag:$0x1] =	stream.indirect_vreg.gather [hbm4b:s8+s3], $0x80, v3, vm0, $0xb8;
	[tilespmem:$0x18100] =	vst v63  }
0x51: {  	s14 =	simm.s32 $0xB100  }
0x52: {  	[tilespmem:s14], [sflag:$0x1] =	stream.indirect_vreg.gather [hbm4b:s9+s3], $0x80, v3, vm0, $0xb8;
	[tilespmem:$0x18100] =	vst v63  }
0x53: {  	s23 =	simm.s32 $0xB900;
	s2 =	simm.s32 $0x1  }
0x54: {  	[tilespmem:s23], [sflag:$0x1] =	stream.indirect_vreg.gather [hbm4b:s10+s3], $0x80, v3, vm0, $0xb8;
	[tilespmem:$0x18100] =	vst v63  }
0x55: {  	_ =	swait.ge [sflag:s2], $0xC000  }
0x56: {  	[sflag:s2] =	ssyncset.done $0x0  }
0x57: {  	s11 =	simm.s32 $0x100;
	s0 =	rddreg [dreg:$0x5];
	[sflag:s2] =	ssyncadd.s32 $0xFFFF4000  }
0x58: {  	[hbm4b:s0+s3] =	stream.linear.scatter [tilespmem:s11], [sflag:$0x3], $0xC000, $0x38;
	[tilespmem:$0x18100] =	vst v63  }
0x59: {  	v3 =	vld [tilespmem:$0x18];
	_ =	sdelay $0x4  }
0x5a: {  	v48 =	vshll.u32 v3, $0x4  }
0x5b: {  	v3 =	vand.u32 $0x7, v3;
	v4 =	vand.u32 $0xFFFFFF80, v48  }
0x5c: {  	v3 =	vor.u32 v3, v4  }
0x5d: {  	v4 =	vperm.xlane v3, v0;
	_ =	sdelay $0x1  }
0x5e: {  	v4 =	vadd.s32 v1, v4;
	_ =	sdelay $0x3  }
0x5f: {  	s11 =	simm.s32 $0xC100  }
0x60: {  	[tilespmem:s11], [sflag:$0x2] =	stream.indirect_vreg.gather [hbm4b:s1+s3], $0x80, v4, vm0, $0xb8;
	[tilespmem:$0x18100] =	vst v63  }
0x61: {  	s23 =	simm.s32 $0xC900  }
0x62: {  	[tilespmem:s23], [sflag:$0x2] =	stream.indirect_vreg.gather [hbm4b:s4+s3], $0x80, v4, vm0, $0xb8;
	[tilespmem:$0x18100] =	vst v63  }
0x63: {  	s23 =	simm.s32 $0xD100  }
0x64: {  	[tilespmem:s23], [sflag:$0x2] =	stream.indirect_vreg.gather [hbm4b:s5+s3], $0x80, v4, vm0, $0xb8;
	[tilespmem:$0x18100] =	vst v63  }
0x65: {  	s23 =	simm.s32 $0xD900  }
0x66: {  	[tilespmem:s23], [sflag:$0x2] =	stream.indirect_vreg.gather [hbm4b:s6+s3], $0x80, v4, vm0, $0xb8;
	[tilespmem:$0x18100] =	vst v63  }
0x67: {  	s23 =	simm.s32 $0xE100  }
0x68: {  	[tilespmem:s23], [sflag:$0x2] =	stream.indirect_vreg.gather [hbm4b:s7+s3], $0x80, v4, vm0, $0xb8;
	[tilespmem:$0x18100] =	vst v63  }
0x69: {  	v3 =	vperm.xlane v3, v2;
	s23 =	simm.s32 $0xE900  }
0x6a: {  	[tilespmem:s23], [sflag:$0x2] =	stream.indirect_vreg.gather [hbm4b:s8+s3], $0x80, v4, vm0, $0xb8;
	[tilespmem:$0x18100] =	vst v63  }
0x6b: {  	v3 =	vadd.s32 v1, v3;
	s23 =	simm.s32 $0xF100  }
0x6c: {  	[tilespmem:s23], [sflag:$0x2] =	stream.indirect_vreg.gather [hbm4b:s9+s3], $0x80, v4, vm0, $0xb8;
	[tilespmem:$0x18100] =	vst v63  }
0x6d: {  	s23 =	simm.s32 $0xF900  }
0x6e: {  	[tilespmem:s23], [sflag:$0x2] =	stream.indirect_vreg.gather [hbm4b:s10+s3], $0x80, v4, vm0, $0xb8;
	[tilespmem:$0x18100] =	vst v63  }
0x6f: {  	s23 =	simm.s32 $0x10100  }
0x70: {  	[tilespmem:s23], [sflag:$0x2] =	stream.indirect_vreg.gather [hbm4b:s1+s3], $0x80, v3, vm0, $0xb8;
	[tilespmem:$0x18100] =	vst v63  }
0x71: {  	s23 =	simm.s32 $0x10900  }
0x72: {  	[tilespmem:s23], [sflag:$0x2] =	stream.indirect_vreg.gather [hbm4b:s4+s3], $0x80, v3, vm0, $0xb8;
	[tilespmem:$0x18100] =	vst v63  }
0x73: {  	s23 =	simm.s32 $0x11100  }
0x74: {  	[tilespmem:s23], [sflag:$0x2] =	stream.indirect_vreg.gather [hbm4b:s5+s3], $0x80, v3, vm0, $0xb8;
	[tilespmem:$0x18100] =	vst v63  }
0x75: {  	s23 =	simm.s32 $0x11900  }
0x76: {  	[tilespmem:s23], [sflag:$0x2] =	stream.indirect_vreg.gather [hbm4b:s6+s3], $0x80, v3, vm0, $0xb8;
	[tilespmem:$0x18100] =	vst v63  }
0x77: {  	s23 =	simm.s32 $0x12100  }
0x78: {  	[tilespmem:s23], [sflag:$0x2] =	stream.indirect_vreg.gather [hbm4b:s7+s3], $0x80, v3, vm0, $0xb8;
	[tilespmem:$0x18100] =	vst v63  }
0x79: {  	s23 =	simm.s32 $0x12900  }
0x7a: {  	[tilespmem:s23], [sflag:$0x2] =	stream.indirect_vreg.gather [hbm4b:s8+s3], $0x80, v3, vm0, $0xb8;
	[tilespmem:$0x18100] =	vst v63  }
0x7b: {  	s23 =	simm.s32 $0x13100  }
0x7c: {  	[tilespmem:s23], [sflag:$0x2] =	stream.indirect_vreg.gather [hbm4b:s9+s3], $0x80, v3, vm0, $0xb8;
	[tilespmem:$0x18100] =	vst v63  }
0x7d: {  	s23 =	simm.s32 $0x13900  }
0x7e: {  	[tilespmem:s23], [sflag:$0x2] =	stream.indirect_vreg.gather [hbm4b:s10+s3], $0x80, v3, vm0, $0xb8;
	[tilespmem:$0x18100] =	vst v63  }
0x7f: {  	v3 =	vld.msk [tilespmem:$0x28], $0xff;
	_ =	sdelay $0x4  }
0x80: {  	v49 =	vshll.u32 v3, $0x4  }
0x81: {  	v3 =	vand.u32 $0x7, v3;
	v4 =	vand.u32 $0xFFFFFF80, v49  }
0x82: {  	v3 =	vor.u32 v3, v4  }
0x83: {  	v3 =	vperm.xlane v3, v0;
	_ =	sdelay $0x1  }
0x84: {  	v3 =	vadd.s32 v1, v3;
	_ =	sdelay $0x3  }
0x85: {  	s23 =	simm.s32 $0x14100  }
0x86: {  	[tilespmem:s23], [sflag:$0x2] =	stream.indirect_vreg.gather [hbm4b:s1+s3], $0x80, v3, vm0, $0xb8;
	[tilespmem:$0x18100] =	vst v63  }
0x87: {  	s23 =	simm.s32 $0x14900  }
0x88: {  	[tilespmem:s23], [sflag:$0x2] =	stream.indirect_vreg.gather [hbm4b:s4+s3], $0x80, v3, vm0, $0xb8;
	[tilespmem:$0x18100] =	vst v63  }
0x89: {  	s23 =	simm.s32 $0x15100  }
0x8a: {  	[tilespmem:s23], [sflag:$0x2] =	stream.indirect_vreg.gather [hbm4b:s5+s3], $0x80, v3, vm0, $0xb8;
	[tilespmem:$0x18100] =	vst v63  }
0x8b: {  	s23 =	simm.s32 $0x15900  }
0x8c: {  	[tilespmem:s23], [sflag:$0x2] =	stream.indirect_vreg.gather [hbm4b:s6+s3], $0x80, v3, vm0, $0xb8;
	[tilespmem:$0x18100] =	vst v63  }
0x8d: {  	s23 =	simm.s32 $0x16100  }
0x8e: {  	[tilespmem:s23], [sflag:$0x2] =	stream.indirect_vreg.gather [hbm4b:s7+s3], $0x80, v3, vm0, $0xb8;
	[tilespmem:$0x18100] =	vst v63  }
0x8f: {  	s23 =	simm.s32 $0x16900  }
0x90: {  	[tilespmem:s23], [sflag:$0x2] =	stream.indirect_vreg.gather [hbm4b:s8+s3], $0x80, v3, vm0, $0xb8;
	[tilespmem:$0x18100] =	vst v63  }
0x91: {  	s23 =	simm.s32 $0x17100  }
0x92: {  	[tilespmem:s23], [sflag:$0x2] =	stream.indirect_vreg.gather [hbm4b:s9+s3], $0x80, v3, vm0, $0xb8;
	[tilespmem:$0x18100] =	vst v63  }
0x93: {  	s23 =	simm.s32 $0x17900  }
0x94: {  	[tilespmem:s23], [sflag:$0x2] =	stream.indirect_vreg.gather [hbm4b:s10+s3], $0x80, v3, vm0, $0xb8;
	[tilespmem:$0x18100] =	vst v63  }
0x95: {  	_ =	swait.ge [sflag:s12], $0xC000  }
0x96: {  	[sflag:s12] =	ssyncset.done $0x0  }
0x97: {  	s11 =	simm.s32 $0xC100;
	s0 =	rddreg [dreg:$0x6];
	[sflag:s12] =	ssyncadd.s32 $0xFFFF4000  }
0x98: {  	[hbm4b:s0+s3] =	stream.linear.scatter [tilespmem:s11], [sflag:$0x4], $0xC000, $0x38;
	[tilespmem:$0x18100] =	vst v63  }
0x99: {  	_ =	swait.ge [sflag:s21], $0xC000  }
0x9a: {  	[sflag:s21] =	ssyncset.done $0x0  }
0x9b: {  	[sflag:s21] =	ssyncadd.s32 $0xFFFF4000  }
0x9c: {  	v3 =	vld [tilespmem:$0x30];
	_ =	sdelay $0x4  }
0x9d: {  	v50 =	vshll.u32 v3, $0x4  }
0x9e: {  	v3 =	vand.u32 $0x7, v3;
	v4 =	vand.u32 $0xFFFFFF80, v50  }
0x9f: {  	v3 =	vor.u32 v3, v4  }
0xa0: {  	v4 =	vperm.xlane v3, v0;
	_ =	sdelay $0x1  }
0xa1: {  	v4 =	vadd.s32 v1, v4;
	_ =	sdelay $0x3  }
0xa2: {  	s0 =	simm.s32 $0x100  }
0xa3: {  	[tilespmem:s0], [sflag:$0x1] =	stream.indirect_vreg.gather [hbm4b:s1+s3], $0x80, v4, vm0, $0xb8;
	[tilespmem:$0x18100] =	vst v63  }
0xa4: {  	s19 =	simm.s32 $0x900  }
0xa5: {  	[tilespmem:s19], [sflag:$0x1] =	stream.indirect_vreg.gather [hbm4b:s4+s3], $0x80, v4, vm0, $0xb8;
	[tilespmem:$0x18100] =	vst v63  }
0xa6: {  	s24 =	simm.s32 $0x1100  }
0xa7: {  	[tilespmem:s24], [sflag:$0x1] =	stream.indirect_vreg.gather [hbm4b:s5+s3], $0x80, v4, vm0, $0xb8;
	[tilespmem:$0x18100] =	vst v63  }
0xa8: {  	s15 =	simm.s32 $0x1900  }
0xa9: {  	[tilespmem:s15], [sflag:$0x1] =	stream.indirect_vreg.gather [hbm4b:s6+s3], $0x80, v4, vm0, $0xb8;
	[tilespmem:$0x18100] =	vst v63  }
0xaa: {  	s18 =	simm.s32 $0x2100  }
0xab: {  	[tilespmem:s18], [sflag:$0x1] =	stream.indirect_vreg.gather [hbm4b:s7+s3], $0x80, v4, vm0, $0xb8;
	[tilespmem:$0x18100] =	vst v63  }
0xac: {  	v3 =	vperm.xlane v3, v2;
	s18 =	simm.s32 $0x2900  }
0xad: {  	[tilespmem:s18], [sflag:$0x1] =	stream.indirect_vreg.gather [hbm4b:s8+s3], $0x80, v4, vm0, $0xb8;
	[tilespmem:$0x18100] =	vst v63  }
0xae: {  	s16 =	simm.s32 $0x3100;
	v3 =	vadd.s32 v1, v3  }
0xaf: {  	[tilespmem:s16], [sflag:$0x1] =	stream.indirect_vreg.gather [hbm4b:s9+s3], $0x80, v4, vm0, $0xb8;
	[tilespmem:$0x18100] =	vst v63  }
0xb0: {  	s17 =	simm.s32 $0x3900  }
0xb1: {  	[tilespmem:s17], [sflag:$0x1] =	stream.indirect_vreg.gather [hbm4b:s10+s3], $0x80, v4, vm0, $0xb8;
	[tilespmem:$0x18100] =	vst v63  }
0xb2: {  	s20 =	simm.s32 $0x4100  }
0xb3: {  	[tilespmem:s20], [sflag:$0x1] =	stream.indirect_vreg.gather [hbm4b:s1+s3], $0x80, v3, vm0, $0xb8;
	[tilespmem:$0x18100] =	vst v63  }
0xb4: {  	s25 =	simm.s32 $0x4900  }
0xb5: {  	[tilespmem:s25], [sflag:$0x1] =	stream.indirect_vreg.gather [hbm4b:s4+s3], $0x80, v3, vm0, $0xb8;
	[tilespmem:$0x18100] =	vst v63  }
0xb6: {  	s26 =	simm.s32 $0x5100  }
0xb7: {  	[tilespmem:s26], [sflag:$0x1] =	stream.indirect_vreg.gather [hbm4b:s5+s3], $0x80, v3, vm0, $0xb8;
	[tilespmem:$0x18100] =	vst v63  }
0xb8: {  	s28 =	simm.s32 $0x5900  }
0xb9: {  	[tilespmem:s28], [sflag:$0x1] =	stream.indirect_vreg.gather [hbm4b:s6+s3], $0x80, v3, vm0, $0xb8;
	[tilespmem:$0x18100] =	vst v63  }
0xba: {  	s29 =	simm.s32 $0x6100  }
0xbb: {  	[tilespmem:s29], [sflag:$0x1] =	stream.indirect_vreg.gather [hbm4b:s7+s3], $0x80, v3, vm0, $0xb8;
	[tilespmem:$0x18100] =	vst v63  }
0xbc: {  	s30 =	simm.s32 $0x6900  }
0xbd: {  	[tilespmem:s30], [sflag:$0x1] =	stream.indirect_vreg.gather [hbm4b:s8+s3], $0x80, v3, vm0, $0xb8;
	[tilespmem:$0x18100] =	vst v63  }
0xbe: {  	s31 =	simm.s32 $0x7100  }
0xbf: {  	[tilespmem:s31], [sflag:$0x1] =	stream.indirect_vreg.gather [hbm4b:s9+s3], $0x80, v3, vm0, $0xb8;
	[tilespmem:$0x18100] =	vst v63  }
0xc0: {  	s13 =	simm.s32 $0x7900  }
0xc1: {  	[tilespmem:s13], [sflag:$0x1] =	stream.indirect_vreg.gather [hbm4b:s10+s3], $0x80, v3, vm0, $0xb8;
	[tilespmem:$0x18100] =	vst v63  }
0xc2: {  	v3 =	vld.msk [tilespmem:$0x40], $0xff;
	_ =	sdelay $0x4  }
0xc3: {  	v51 =	vshll.u32 v3, $0x4  }
0xc4: {  	v3 =	vand.u32 $0x7, v3;
	v4 =	vand.u32 $0xFFFFFF80, v51  }
0xc5: {  	v3 =	vor.u32 v3, v4  }
0xc6: {  	v3 =	vperm.xlane v3, v0;
	_ =	sdelay $0x1  }
0xc7: {  	v3 =	vadd.s32 v1, v3;
	_ =	sdelay $0x3  }
0xc8: {  	s19 =	simm.s32 $0x8100  }
0xc9: {  	[tilespmem:s19], [sflag:$0x1] =	stream.indirect_vreg.gather [hbm4b:s1+s3], $0x80, v3, vm0, $0xb8;
	[tilespmem:$0x18100] =	vst v63  }
0xca: {  	s20 =	simm.s32 $0x8900  }
0xcb: {  	[tilespmem:s20], [sflag:$0x1] =	stream.indirect_vreg.gather [hbm4b:s4+s3], $0x80, v3, vm0, $0xb8;
	[tilespmem:$0x18100] =	vst v63  }
0xcc: {  	s23 =	simm.s32 $0x9100  }
0xcd: {  	[tilespmem:s23], [sflag:$0x1] =	stream.indirect_vreg.gather [hbm4b:s5+s3], $0x80, v3, vm0, $0xb8;
	[tilespmem:$0x18100] =	vst v63  }
0xce: {  	s24 =	simm.s32 $0x9900  }
0xcf: {  	[tilespmem:s24], [sflag:$0x1] =	stream.indirect_vreg.gather [hbm4b:s6+s3], $0x80, v3, vm0, $0xb8;
	[tilespmem:$0x18100] =	vst v63  }
0xd0: {  	s25 =	simm.s32 $0xA100  }
0xd1: {  	[tilespmem:s25], [sflag:$0x1] =	stream.indirect_vreg.gather [hbm4b:s7+s3], $0x80, v3, vm0, $0xb8;
	[tilespmem:$0x18100] =	vst v63  }
0xd2: {  	s26 =	simm.s32 $0xA900  }
0xd3: {  	[tilespmem:s26], [sflag:$0x1] =	stream.indirect_vreg.gather [hbm4b:s8+s3], $0x80, v3, vm0, $0xb8;
	[tilespmem:$0x18100] =	vst v63  }
0xd4: {  	s28 =	simm.s32 $0xB100  }
0xd5: {  	[tilespmem:s28], [sflag:$0x1] =	stream.indirect_vreg.gather [hbm4b:s9+s3], $0x80, v3, vm0, $0xb8;
	[tilespmem:$0x18100] =	vst v63  }
0xd6: {  	s14 =	simm.s32 $0xB900  }
0xd7: {  	[tilespmem:s14], [sflag:$0x1] =	stream.indirect_vreg.gather [hbm4b:s10+s3], $0x80, v3, vm0, $0xb8;
	[tilespmem:$0x18100] =	vst v63  }
0xd8: {  	_ =	swait.ge [sflag:s2], $0xC000  }
0xd9: {  	[sflag:s2] =	ssyncset.done $0x0  }
0xda: {  	s29 =	rddreg [dreg:$0x7];
	[sflag:s2] =	ssyncadd.s32 $0xFFFF4000  }
0xdb: {  	[hbm4b:s29+s3] =	stream.linear.scatter [tilespmem:s0], [sflag:$0x3], $0xC000, $0x38;
	[tilespmem:$0x18100] =	vst v63  }
0xdc: {  	_ =	swait.ge [sflag:s22], $0xC000  }
0xdd: {  	[sflag:s22] =	ssyncset.done $0x0  }
0xde: {  	[sflag:s22] =	ssyncadd.s32 $0xFFFF4000  }
0xdf: {  	v3 =	vld [tilespmem:$0x48];
	_ =	sdelay $0x4  }
0xe0: {  	v52 =	vshll.u32 v3, $0x4  }
0xe1: {  	v3 =	vand.u32 $0x7, v3;
	v4 =	vand.u32 $0xFFFFFF80, v52  }
0xe2: {  	v3 =	vor.u32 v3, v4  }
0xe3: {  	v4 =	vperm.xlane v3, v0;
	_ =	sdelay $0x1  }
0xe4: {  	v4 =	vadd.s32 v1, v4;
	_ =	sdelay $0x3  }
0xe5: {  	s11 =	simm.s32 $0xC100  }
0xe6: {  	[tilespmem:s11], [sflag:$0x2] =	stream.indirect_vreg.gather [hbm4b:s1+s3], $0x80, v4, vm0, $0xb8;
	[tilespmem:$0x18100] =	vst v63  }
0xe7: {  	s30 =	simm.s32 $0xC900  }
0xe8: {  	[tilespmem:s30], [sflag:$0x2] =	stream.indirect_vreg.gather [hbm4b:s4+s3], $0x80, v4, vm0, $0xb8;
	[tilespmem:$0x18100] =	vst v63  }
0xe9: {  	s31 =	simm.s32 $0xD100  }
0xea: {  	[tilespmem:s31], [sflag:$0x2] =	stream.indirect_vreg.gather [hbm4b:s5+s3], $0x80, v4, vm0, $0xb8;
	[tilespmem:$0x18100] =	vst v63  }
0xeb: {  	s13 =	simm.s32 $0xD900  }
0xec: {  	[tilespmem:s13], [sflag:$0x2] =	stream.indirect_vreg.gather [hbm4b:s6+s3], $0x80, v4, vm0, $0xb8;
	[tilespmem:$0x18100] =	vst v63  }
0xed: {  	s14 =	simm.s32 $0xE100  }
0xee: {  	[tilespmem:s14], [sflag:$0x2] =	stream.indirect_vreg.gather [hbm4b:s7+s3], $0x80, v4, vm0, $0xb8;
	[tilespmem:$0x18100] =	vst v63  }
0xef: {  	s15 =	simm.s32 $0xE900;
	v3 =	vperm.xlane v3, v2  }
0xf0: {  	[tilespmem:s15], [sflag:$0x2] =	stream.indirect_vreg.gather [hbm4b:s8+s3], $0x80, v4, vm0, $0xb8;
	[tilespmem:$0x18100] =	vst v63  }
0xf1: {  	s16 =	simm.s32 $0xF100;
	v3 =	vadd.s32 v1, v3  }
0xf2: {  	[tilespmem:s16], [sflag:$0x2] =	stream.indirect_vreg.gather [hbm4b:s9+s3], $0x80, v4, vm0, $0xb8;
	[tilespmem:$0x18100] =	vst v63  }
0xf3: {  	s17 =	simm.s32 $0xF900  }
0xf4: {  	[tilespmem:s17], [sflag:$0x2] =	stream.indirect_vreg.gather [hbm4b:s10+s3], $0x80, v4, vm0, $0xb8;
	[tilespmem:$0x18100] =	vst v63  }
0xf5: {  	s19 =	simm.s32 $0x10100  }
0xf6: {  	[tilespmem:s19], [sflag:$0x2] =	stream.indirect_vreg.gather [hbm4b:s1+s3], $0x80, v3, vm0, $0xb8;
	[tilespmem:$0x18100] =	vst v63  }
0xf7: {  	s20 =	simm.s32 $0x10900  }
0xf8: {  	[tilespmem:s20], [sflag:$0x2] =	stream.indirect_vreg.gather [hbm4b:s4+s3], $0x80, v3, vm0, $0xb8;
	[tilespmem:$0x18100] =	vst v63  }
0xf9: {  	s26 =	simm.s32 $0x11100  }
0xfa: {  	[tilespmem:s26], [sflag:$0x2] =	stream.indirect_vreg.gather [hbm4b:s5+s3], $0x80, v3, vm0, $0xb8;
	[tilespmem:$0x18100] =	vst v63  }
0xfb: {  	s28 =	simm.s32 $0x11900  }
0xfc: {  	[tilespmem:s28], [sflag:$0x2] =	stream.indirect_vreg.gather [hbm4b:s6+s3], $0x80, v3, vm0, $0xb8;
	[tilespmem:$0x18100] =	vst v63  }
0xfd: {  	s29 =	simm.s32 $0x12100  }
0xfe: {  	[tilespmem:s29], [sflag:$0x2] =	stream.indirect_vreg.gather [hbm4b:s7+s3], $0x80, v3, vm0, $0xb8;
	[tilespmem:$0x18100] =	vst v63  }
0xff: {  	s30 =	simm.s32 $0x12900  }
0x100: {  	[tilespmem:s30], [sflag:$0x2] =	stream.indirect_vreg.gather [hbm4b:s8+s3], $0x80, v3, vm0, $0xb8;
	[tilespmem:$0x18100] =	vst v63  }
0x101: {  	s31 =	simm.s32 $0x13100  }
0x102: {  	[tilespmem:s31], [sflag:$0x2] =	stream.indirect_vreg.gather [hbm4b:s9+s3], $0x80, v3, vm0, $0xb8;
	[tilespmem:$0x18100] =	vst v63  }
0x103: {  	s0 =	simm.s32 $0x13900  }
0x104: {  	[tilespmem:s0], [sflag:$0x2] =	stream.indirect_vreg.gather [hbm4b:s10+s3], $0x80, v3, vm0, $0xb8;
	[tilespmem:$0x18100] =	vst v63  }
0x105: {  	v3 =	vld.msk [tilespmem:$0x58], $0xff;
	_ =	sdelay $0x4  }
0x106: {  	v53 =	vshll.u32 v3, $0x4  }
0x107: {  	v3 =	vand.u32 $0x7, v3;
	v4 =	vand.u32 $0xFFFFFF80, v53  }
0x108: {  	v3 =	vor.u32 v3, v4  }
0x109: {  	v3 =	vperm.xlane v3, v0;
	_ =	sdelay $0x1  }
0x10a: {  	v3 =	vadd.s32 v1, v3;
	_ =	sdelay $0x3  }
0x10b: {  	s25 =	simm.s32 $0x14100  }
0x10c: {  	[tilespmem:s25], [sflag:$0x2] =	stream.indirect_vreg.gather [hbm4b:s1+s3], $0x80, v3, vm0, $0xb8;
	[tilespmem:$0x18100] =	vst v63  }
0x10d: {  	s18 =	simm.s32 $0x14900  }
0x10e: {  	[tilespmem:s18], [sflag:$0x2] =	stream.indirect_vreg.gather [hbm4b:s4+s3], $0x80, v3, vm0, $0xb8;
	[tilespmem:$0x18100] =	vst v63  }
0x10f: {  	s23 =	simm.s32 $0x15100  }
0x110: {  	[tilespmem:s23], [sflag:$0x2] =	stream.indirect_vreg.gather [hbm4b:s5+s3], $0x80, v3, vm0, $0xb8;
	[tilespmem:$0x18100] =	vst v63  }
0x111: {  	s0 =	simm.s32 $0x15900  }
0x112: {  	[tilespmem:s0], [sflag:$0x2] =	stream.indirect_vreg.gather [hbm4b:s6+s3], $0x80, v3, vm0, $0xb8;
	[tilespmem:$0x18100] =	vst v63  }
0x113: {  	s11 =	simm.s32 $0x16100  }
0x114: {  	[tilespmem:s11], [sflag:$0x2] =	stream.indirect_vreg.gather [hbm4b:s7+s3], $0x80, v3, vm0, $0xb8;
	[tilespmem:$0x18100] =	vst v63  }
0x115: {  	s23 =	simm.s32 $0x16900  }
0x116: {  	[tilespmem:s23], [sflag:$0x2] =	stream.indirect_vreg.gather [hbm4b:s8+s3], $0x80, v3, vm0, $0xb8;
	[tilespmem:$0x18100] =	vst v63  }
0x117: {  	s18 =	simm.s32 $0x17100  }
0x118: {  	[tilespmem:s18], [sflag:$0x2] =	stream.indirect_vreg.gather [hbm4b:s9+s3], $0x80, v3, vm0, $0xb8;
	[tilespmem:$0x18100] =	vst v63  }
0x119: {  	s0 =	simm.s32 $0x17900  }
0x11a: {  	[tilespmem:s0], [sflag:$0x2] =	stream.indirect_vreg.gather [hbm4b:s10+s3], $0x80, v3, vm0, $0xb8;
	[tilespmem:$0x18100] =	vst v63  }
0x11b: {  	_ =	swait.ge [sflag:s12], $0xC000  }
0x11c: {  	[sflag:s12] =	ssyncset.done $0x0  }
0x11d: {  	s24 =	simm.s32 $0xC100;
	s11 =	rddreg [dreg:$0x8];
	[sflag:s12] =	ssyncadd.s32 $0xFFFF4000  }
0x11e: {  	[hbm4b:s11+s3] =	stream.linear.scatter [tilespmem:s24], [sflag:$0x4], $0xC000, $0x38;
	[tilespmem:$0x18100] =	vst v63  }
0x11f: {  	_ =	swait.ge [sflag:s21], $0xC000  }
0x120: {  	[sflag:s21] =	ssyncset.done $0x0  }
0x121: {  	[sflag:s21] =	ssyncadd.s32 $0xFFFF4000  }
0x122: {  	v3 =	vld.msk [tilespmem:$0x60], $0xff;
	_ =	sdelay $0x4  }
0x123: {  	v54 =	vshll.u32 v3, $0x4  }
0x124: {  	v3 =	vand.u32 $0x7, v3;
	v4 =	vand.u32 $0xFFFFFF80, v54  }
0x125: {  	v3 =	vor.u32 v3, v4  }
0x126: {  	v3 =	vperm.xlane v3, v0;
	_ =	sdelay $0x1  }
0x127: {  	v3 =	vadd.s32 v1, v3;
	_ =	sdelay $0x3  }
0x128: {  	s0 =	simm.s32 $0x100  }
0x129: {  	[tilespmem:s0], [sflag:$0x1] =	stream.indirect_vreg.gather [hbm4b:s1+s3], $0x80, v3, vm0, $0xb8;
	[tilespmem:$0x18100] =	vst v63  }
0x12a: {  	s24 =	simm.s32 $0x900  }
0x12b: {  	[tilespmem:s24], [sflag:$0x1] =	stream.indirect_vreg.gather [hbm4b:s4+s3], $0x80, v3, vm0, $0xb8;
	[tilespmem:$0x18100] =	vst v63  }
0x12c: {  	s23 =	simm.s32 $0x1100  }
0x12d: {  	[tilespmem:s23], [sflag:$0x1] =	stream.indirect_vreg.gather [hbm4b:s5+s3], $0x80, v3, vm0, $0xb8;
	[tilespmem:$0x18100] =	vst v63  }
0x12e: {  	s23 =	simm.s32 $0x1900  }
0x12f: {  	[tilespmem:s23], [sflag:$0x1] =	stream.indirect_vreg.gather [hbm4b:s6+s3], $0x80, v3, vm0, $0xb8;
	[tilespmem:$0x18100] =	vst v63  }
0x130: {  	s23 =	simm.s32 $0x2100  }
0x131: {  	[tilespmem:s23], [sflag:$0x1] =	stream.indirect_vreg.gather [hbm4b:s7+s3], $0x80, v3, vm0, $0xb8;
	[tilespmem:$0x18100] =	vst v63  }
0x132: {  	s23 =	simm.s32 $0x2900  }
0x133: {  	[tilespmem:s23], [sflag:$0x1] =	stream.indirect_vreg.gather [hbm4b:s8+s3], $0x80, v3, vm0, $0xb8;
	[tilespmem:$0x18100] =	vst v63  }
0x134: {  	s23 =	simm.s32 $0x3100  }
0x135: {  	[tilespmem:s23], [sflag:$0x1] =	stream.indirect_vreg.gather [hbm4b:s9+s3], $0x80, v3, vm0, $0xb8;
	[tilespmem:$0x18100] =	vst v63  }
0x136: {  	s23 =	simm.s32 $0x3900  }
0x137: {  	[tilespmem:s23], [sflag:$0x1] =	stream.indirect_vreg.gather [hbm4b:s10+s3], $0x80, v3, vm0, $0xb8;
	[tilespmem:$0x18100] =	vst v63  }
0x138: {  	_ =	swait.ge [sflag:s2], $0x4000  }
0x139: {  	[sflag:s2] =	ssyncset.done $0x0  }
0x13a: {  	s23 =	rddreg [dreg:$0x9];
	[sflag:s2] =	ssyncadd.s32 $0xFFFFC000  }
0x13b: {  	[hbm4b:s23+s3] =	stream.linear.scatter [tilespmem:s0], [sflag:$0x3], $0x4000, $0x38;
	[tilespmem:$0x18100] =	vst v63  }
0x13c: {  	_ =	swait.ge [sflag:s22], $0xC000  }
0x13d: {  	[sflag:s22] =	ssyncset.done $0x0  }
0x13e: {  	[sflag:s22] =	ssyncadd.s32 $0xFFFF4000  }
0x13f: {  	v3 =	vld [tilespmem:$0x68];
	_ =	sdelay $0x4  }
0x140: {  	v55 =	vshll.u32 v3, $0x4  }
0x141: {  	v3 =	vand.u32 $0x7, v3;
	v4 =	vand.u32 $0xFFFFFF80, v55  }
0x142: {  	v3 =	vor.u32 v3, v4  }
0x143: {  	v4 =	vperm.xlane v3, v0;
	_ =	sdelay $0x1  }
0x144: {  	v4 =	vadd.s32 v1, v4;
	_ =	sdelay $0x3  }
0x145: {  	s11 =	simm.s32 $0xC100  }
0x146: {  	[tilespmem:s11], [sflag:$0x2] =	stream.indirect_vreg.gather [hbm4b:s1+s3], $0x80, v4, vm0, $0xb8;
	[tilespmem:$0x18100] =	vst v63  }
0x147: {  	s23 =	simm.s32 $0xC900  }
0x148: {  	[tilespmem:s23], [sflag:$0x2] =	stream.indirect_vreg.gather [hbm4b:s4+s3], $0x80, v4, vm0, $0xb8;
	[tilespmem:$0x18100] =	vst v63  }
0x149: {  	s23 =	simm.s32 $0xD100  }
0x14a: {  	[tilespmem:s23], [sflag:$0x2] =	stream.indirect_vreg.gather [hbm4b:s5+s3], $0x80, v4, vm0, $0xb8;
	[tilespmem:$0x18100] =	vst v63  }
0x14b: {  	_ = 	snop  }
0x14c: {  	[tilespmem:s13], [sflag:$0x2] =	stream.indirect_vreg.gather [hbm4b:s6+s3], $0x80, v4, vm0, $0xb8;
	[tilespmem:$0x18100] =	vst v63  }
0x14d: {  	_ = 	snop  }
0x14e: {  	[tilespmem:s14], [sflag:$0x2] =	stream.indirect_vreg.gather [hbm4b:s7+s3], $0x80, v4, vm0, $0xb8;
	[tilespmem:$0x18100] =	vst v63  }
0x14f: {  	v3 =	vperm.xlane v3, v2  }
0x150: {  	[tilespmem:s15], [sflag:$0x2] =	stream.indirect_vreg.gather [hbm4b:s8+s3], $0x80, v4, vm0, $0xb8;
	[tilespmem:$0x18100] =	vst v63  }
0x151: {  	v3 =	vadd.s32 v1, v3  }
0x152: {  	[tilespmem:s16], [sflag:$0x2] =	stream.indirect_vreg.gather [hbm4b:s9+s3], $0x80, v4, vm0, $0xb8;
	[tilespmem:$0x18100] =	vst v63  }
0x153: {  	_ = 	snop  }
0x154: {  	[tilespmem:s17], [sflag:$0x2] =	stream.indirect_vreg.gather [hbm4b:s10+s3], $0x80, v4, vm0, $0xb8;
	[tilespmem:$0x18100] =	vst v63  }
0x155: {  	_ = 	snop  }
0x156: {  	[tilespmem:s19], [sflag:$0x2] =	stream.indirect_vreg.gather [hbm4b:s1+s3], $0x80, v3, vm0, $0xb8;
	[tilespmem:$0x18100] =	vst v63  }
0x157: {  	_ = 	snop  }
0x158: {  	[tilespmem:s20], [sflag:$0x2] =	stream.indirect_vreg.gather [hbm4b:s4+s3], $0x80, v3, vm0, $0xb8;
	[tilespmem:$0x18100] =	vst v63  }
0x159: {  	_ = 	snop  }
0x15a: {  	[tilespmem:s26], [sflag:$0x2] =	stream.indirect_vreg.gather [hbm4b:s5+s3], $0x80, v3, vm0, $0xb8;
	[tilespmem:$0x18100] =	vst v63  }
0x15b: {  	_ = 	snop  }
0x15c: {  	[tilespmem:s28], [sflag:$0x2] =	stream.indirect_vreg.gather [hbm4b:s6+s3], $0x80, v3, vm0, $0xb8;
	[tilespmem:$0x18100] =	vst v63  }
0x15d: {  	_ = 	snop  }
0x15e: {  	[tilespmem:s29], [sflag:$0x2] =	stream.indirect_vreg.gather [hbm4b:s7+s3], $0x80, v3, vm0, $0xb8;
	[tilespmem:$0x18100] =	vst v63  }
0x15f: {  	_ = 	snop  }
0x160: {  	[tilespmem:s30], [sflag:$0x2] =	stream.indirect_vreg.gather [hbm4b:s8+s3], $0x80, v3, vm0, $0xb8;
	[tilespmem:$0x18100] =	vst v63  }
0x161: {  	_ = 	snop  }
0x162: {  	[tilespmem:s31], [sflag:$0x2] =	stream.indirect_vreg.gather [hbm4b:s9+s3], $0x80, v3, vm0, $0xb8;
	[tilespmem:$0x18100] =	vst v63  }
0x163: {  	s30 =	simm.s32 $0x13900  }
0x164: {  	[tilespmem:s30], [sflag:$0x2] =	stream.indirect_vreg.gather [hbm4b:s10+s3], $0x80, v3, vm0, $0xb8;
	[tilespmem:$0x18100] =	vst v63  }
0x165: {  	v3 =	vld.msk [tilespmem:$0x78], $0xff;
	_ =	sdelay $0x4  }
0x166: {  	v56 =	vshll.u32 v3, $0x4  }
0x167: {  	v3 =	vand.u32 $0x7, v3;
	v4 =	vand.u32 $0xFFFFFF80, v56  }
0x168: {  	v3 =	vor.u32 v3, v4  }
0x169: {  	v3 =	vperm.xlane v3, v0;
	_ =	sdelay $0x1  }
0x16a: {  	v3 =	vadd.s32 v1, v3;
	_ =	sdelay $0x4  }
0x16b: {  	[tilespmem:s25], [sflag:$0x2] =	stream.indirect_vreg.gather [hbm4b:s1+s3], $0x80, v3, vm0, $0xb8;
	[tilespmem:$0x18100] =	vst v63  }
0x16c: {  	s31 =	simm.s32 $0x14900  }
0x16d: {  	[tilespmem:s31], [sflag:$0x2] =	stream.indirect_vreg.gather [hbm4b:s4+s3], $0x80, v3, vm0, $0xb8;
	[tilespmem:$0x18100] =	vst v63  }
0x16e: {  	s13 =	simm.s32 $0x15100  }
0x16f: {  	[tilespmem:s13], [sflag:$0x2] =	stream.indirect_vreg.gather [hbm4b:s5+s3], $0x80, v3, vm0, $0xb8;
	[tilespmem:$0x18100] =	vst v63  }
0x170: {  	s14 =	simm.s32 $0x15900  }
0x171: {  	[tilespmem:s14], [sflag:$0x2] =	stream.indirect_vreg.gather [hbm4b:s6+s3], $0x80, v3, vm0, $0xb8;
	[tilespmem:$0x18100] =	vst v63  }
0x172: {  	s15 =	simm.s32 $0x16100  }
0x173: {  	[tilespmem:s15], [sflag:$0x2] =	stream.indirect_vreg.gather [hbm4b:s7+s3], $0x80, v3, vm0, $0xb8;
	[tilespmem:$0x18100] =	vst v63  }
0x174: {  	s16 =	simm.s32 $0x16900  }
0x175: {  	[tilespmem:s16], [sflag:$0x2] =	stream.indirect_vreg.gather [hbm4b:s8+s3], $0x80, v3, vm0, $0xb8;
	[tilespmem:$0x18100] =	vst v63  }
0x176: {  	_ = 	snop  }
0x177: {  	[tilespmem:s18], [sflag:$0x2] =	stream.indirect_vreg.gather [hbm4b:s9+s3], $0x80, v3, vm0, $0xb8;
	[tilespmem:$0x18100] =	vst v63  }
0x178: {  	s17 =	simm.s32 $0x17900  }
0x179: {  	[tilespmem:s17], [sflag:$0x2] =	stream.indirect_vreg.gather [hbm4b:s10+s3], $0x80, v3, vm0, $0xb8;
	[tilespmem:$0x18100] =	vst v63  }
0x17a: {  	_ =	swait.ge [sflag:s12], $0xC000  }
0x17b: {  	[sflag:s12] =	ssyncset.done $0x0  }
0x17c: {  	s18 =	rddreg [dreg:$0xa];
	[sflag:s12] =	ssyncadd.s32 $0xFFFF4000  }
0x17d: {  	[hbm4b:s18+s3] =	stream.linear.scatter [tilespmem:s11], [sflag:$0x4], $0xC000, $0x38;
	[tilespmem:$0x18100] =	vst v63  }
0x17e: {  	_ =	swait.ge [sflag:s21], $0x4000  }
0x17f: {  	[sflag:s21] =	ssyncset.done $0x0  }
0x180: {  	[sflag:s21] =	ssyncadd.s32 $0xFFFFC000  }
0x181: {  	v3 =	vld [tilespmem:$0x80];
	_ =	sdelay $0x4  }
0x182: {  	v57 =	vshll.u32 v3, $0x4  }
0x183: {  	v3 =	vand.u32 $0x7, v3;
	v4 =	vand.u32 $0xFFFFFF80, v57  }
0x184: {  	v3 =	vor.u32 v3, v4  }
0x185: {  	v4 =	vperm.xlane v3, v0;
	_ =	sdelay $0x1  }
0x186: {  	v4 =	vadd.s32 v1, v4;
	_ =	sdelay $0x3  }
0x187: {  	s19 =	simm.s32 $0x100  }
0x188: {  	[tilespmem:s19], [sflag:$0x1] =	stream.indirect_vreg.gather [hbm4b:s1+s3], $0x80, v4, vm0, $0xb8;
	[tilespmem:$0x18100] =	vst v63  }
0x189: {  	_ = 	snop  }
0x18a: {  	[tilespmem:s24], [sflag:$0x1] =	stream.indirect_vreg.gather [hbm4b:s4+s3], $0x80, v4, vm0, $0xb8;
	[tilespmem:$0x18100] =	vst v63  }
0x18b: {  	s20 =	simm.s32 $0x1100  }
0x18c: {  	[tilespmem:s20], [sflag:$0x1] =	stream.indirect_vreg.gather [hbm4b:s5+s3], $0x80, v4, vm0, $0xb8;
	[tilespmem:$0x18100] =	vst v63  }
0x18d: {  	s23 =	simm.s32 $0x1900  }
0x18e: {  	[tilespmem:s23], [sflag:$0x1] =	stream.indirect_vreg.gather [hbm4b:s6+s3], $0x80, v4, vm0, $0xb8;
	[tilespmem:$0x18100] =	vst v63  }
0x18f: {  	s24 =	simm.s32 $0x2100  }
0x190: {  	[tilespmem:s24], [sflag:$0x1] =	stream.indirect_vreg.gather [hbm4b:s7+s3], $0x80, v4, vm0, $0xb8;
	[tilespmem:$0x18100] =	vst v63  }
0x191: {  	s25 =	simm.s32 $0x2900;
	v3 =	vperm.xlane v3, v2  }
0x192: {  	[tilespmem:s25], [sflag:$0x1] =	stream.indirect_vreg.gather [hbm4b:s8+s3], $0x80, v4, vm0, $0xb8;
	[tilespmem:$0x18100] =	vst v63  }
0x193: {  	s26 =	simm.s32 $0x3100;
	v3 =	vadd.s32 v1, v3  }
0x194: {  	[tilespmem:s26], [sflag:$0x1] =	stream.indirect_vreg.gather [hbm4b:s9+s3], $0x80, v4, vm0, $0xb8;
	[tilespmem:$0x18100] =	vst v63  }
0x195: {  	s28 =	simm.s32 $0x3900  }
0x196: {  	[tilespmem:s28], [sflag:$0x1] =	stream.indirect_vreg.gather [hbm4b:s10+s3], $0x80, v4, vm0, $0xb8;
	[tilespmem:$0x18100] =	vst v63  }
0x197: {  	s18 =	simm.s32 $0x4100  }
0x198: {  	[tilespmem:s18], [sflag:$0x1] =	stream.indirect_vreg.gather [hbm4b:s1+s3], $0x80, v3, vm0, $0xb8;
	[tilespmem:$0x18100] =	vst v63  }
0x199: {  	s17 =	simm.s32 $0x4900  }
0x19a: {  	[tilespmem:s17], [sflag:$0x1] =	stream.indirect_vreg.gather [hbm4b:s4+s3], $0x80, v3, vm0, $0xb8;
	[tilespmem:$0x18100] =	vst v63  }
0x19b: {  	s29 =	simm.s32 $0x5100  }
0x19c: {  	[tilespmem:s29], [sflag:$0x1] =	stream.indirect_vreg.gather [hbm4b:s5+s3], $0x80, v3, vm0, $0xb8;
	[tilespmem:$0x18100] =	vst v63  }
0x19d: {  	s30 =	simm.s32 $0x5900  }
0x19e: {  	[tilespmem:s30], [sflag:$0x1] =	stream.indirect_vreg.gather [hbm4b:s6+s3], $0x80, v3, vm0, $0xb8;
	[tilespmem:$0x18100] =	vst v63  }
0x19f: {  	s13 =	simm.s32 $0x6100  }
0x1a0: {  	[tilespmem:s13], [sflag:$0x1] =	stream.indirect_vreg.gather [hbm4b:s7+s3], $0x80, v3, vm0, $0xb8;
	[tilespmem:$0x18100] =	vst v63  }
0x1a1: {  	s14 =	simm.s32 $0x6900  }
0x1a2: {  	[tilespmem:s14], [sflag:$0x1] =	stream.indirect_vreg.gather [hbm4b:s8+s3], $0x80, v3, vm0, $0xb8;
	[tilespmem:$0x18100] =	vst v63  }
0x1a3: {  	s15 =	simm.s32 $0x7100  }
0x1a4: {  	[tilespmem:s15], [sflag:$0x1] =	stream.indirect_vreg.gather [hbm4b:s9+s3], $0x80, v3, vm0, $0xb8;
	[tilespmem:$0x18100] =	vst v63  }
0x1a5: {  	s29 =	simm.s32 $0x7900  }
0x1a6: {  	[tilespmem:s29], [sflag:$0x1] =	stream.indirect_vreg.gather [hbm4b:s10+s3], $0x80, v3, vm0, $0xb8;
	[tilespmem:$0x18100] =	vst v63  }
0x1a7: {  	v3 =	vld.msk [tilespmem:$0x90], $0xff;
	_ =	sdelay $0x4  }
0x1a8: {  	v58 =	vshll.u32 v3, $0x4  }
0x1a9: {  	v3 =	vand.u32 $0x7, v3;
	v4 =	vand.u32 $0xFFFFFF80, v58  }
0x1aa: {  	v3 =	vor.u32 v3, v4  }
0x1ab: {  	v3 =	vperm.xlane v3, v0;
	_ =	sdelay $0x1  }
0x1ac: {  	v3 =	vadd.s32 v1, v3;
	_ =	sdelay $0x3  }
0x1ad: {  	s16 =	simm.s32 $0x8100  }
0x1ae: {  	[tilespmem:s16], [sflag:$0x1] =	stream.indirect_vreg.gather [hbm4b:s1+s3], $0x80, v3, vm0, $0xb8;
	[tilespmem:$0x18100] =	vst v63  }
0x1af: {  	s19 =	simm.s32 $0x8900  }
0x1b0: {  	[tilespmem:s19], [sflag:$0x1] =	stream.indirect_vreg.gather [hbm4b:s4+s3], $0x80, v3, vm0, $0xb8;
	[tilespmem:$0x18100] =	vst v63  }
0x1b1: {  	s20 =	simm.s32 $0x9100  }
0x1b2: {  	[tilespmem:s20], [sflag:$0x1] =	stream.indirect_vreg.gather [hbm4b:s5+s3], $0x80, v3, vm0, $0xb8;
	[tilespmem:$0x18100] =	vst v63  }
0x1b3: {  	s24 =	simm.s32 $0x9900  }
0x1b4: {  	[tilespmem:s24], [sflag:$0x1] =	stream.indirect_vreg.gather [hbm4b:s6+s3], $0x80, v3, vm0, $0xb8;
	[tilespmem:$0x18100] =	vst v63  }
0x1b5: {  	s25 =	simm.s32 $0xA100  }
0x1b6: {  	[tilespmem:s25], [sflag:$0x1] =	stream.indirect_vreg.gather [hbm4b:s7+s3], $0x80, v3, vm0, $0xb8;
	[tilespmem:$0x18100] =	vst v63  }
0x1b7: {  	s26 =	simm.s32 $0xA900  }
0x1b8: {  	[tilespmem:s26], [sflag:$0x1] =	stream.indirect_vreg.gather [hbm4b:s8+s3], $0x80, v3, vm0, $0xb8;
	[tilespmem:$0x18100] =	vst v63  }
0x1b9: {  	s28 =	simm.s32 $0xB100  }
0x1ba: {  	[tilespmem:s28], [sflag:$0x1] =	stream.indirect_vreg.gather [hbm4b:s9+s3], $0x80, v3, vm0, $0xb8;
	[tilespmem:$0x18100] =	vst v63  }
0x1bb: {  	s30 =	simm.s32 $0xB900  }
0x1bc: {  	[tilespmem:s30], [sflag:$0x1] =	stream.indirect_vreg.gather [hbm4b:s10+s3], $0x80, v3, vm0, $0xb8;
	[tilespmem:$0x18100] =	vst v63  }
0x1bd: {  	_ =	swait.ge [sflag:s2], $0xC000  }
0x1be: {  	[sflag:s2] =	ssyncset.done $0x0  }
0x1bf: {  	s11 =	simm.s32 $0x100;
	s0 =	rddreg [dreg:$0xb];
	[sflag:s2] =	ssyncadd.s32 $0xFFFF4000  }
0x1c0: {  	[hbm4b:s0+s3] =	stream.linear.scatter [tilespmem:s11], [sflag:$0x3], $0xC000, $0x38;
	[tilespmem:$0x18100] =	vst v63  }
0x1c1: {  	_ =	swait.ge [sflag:s22], $0xC000  }
0x1c2: {  	[sflag:s22] =	ssyncset.done $0x0  }
0x1c3: {  	[sflag:s22] =	ssyncadd.s32 $0xFFFF4000  }
0x1c4: {  	v3 =	vld [tilespmem:$0x98];
	_ =	sdelay $0x4  }
0x1c5: {  	v59 =	vshll.u32 v3, $0x4  }
0x1c6: {  	v3 =	vand.u32 $0x7, v3;
	v4 =	vand.u32 $0xFFFFFF80, v59  }
0x1c7: {  	v3 =	vor.u32 v3, v4  }
0x1c8: {  	v4 =	vperm.xlane v3, v0;
	_ =	sdelay $0x1  }
0x1c9: {  	v4 =	vadd.s32 v1, v4;
	_ =	sdelay $0x3  }
0x1ca: {  	s0 =	simm.s32 $0xC100  }
0x1cb: {  	[tilespmem:s0], [sflag:$0x2] =	stream.indirect_vreg.gather [hbm4b:s1+s3], $0x80, v4, vm0, $0xb8;
	[tilespmem:$0x18100] =	vst v63  }
0x1cc: {  	s23 =	simm.s32 $0xC900  }
0x1cd: {  	[tilespmem:s23], [sflag:$0x2] =	stream.indirect_vreg.gather [hbm4b:s4+s3], $0x80, v4, vm0, $0xb8;
	[tilespmem:$0x18100] =	vst v63  }
0x1ce: {  	s23 =	simm.s32 $0xD100  }
0x1cf: {  	[tilespmem:s23], [sflag:$0x2] =	stream.indirect_vreg.gather [hbm4b:s5+s3], $0x80, v4, vm0, $0xb8;
	[tilespmem:$0x18100] =	vst v63  }
0x1d0: {  	s23 =	simm.s32 $0xD900  }
0x1d1: {  	[tilespmem:s23], [sflag:$0x2] =	stream.indirect_vreg.gather [hbm4b:s6+s3], $0x80, v4, vm0, $0xb8;
	[tilespmem:$0x18100] =	vst v63  }
0x1d2: {  	s23 =	simm.s32 $0xE100  }
0x1d3: {  	[tilespmem:s23], [sflag:$0x2] =	stream.indirect_vreg.gather [hbm4b:s7+s3], $0x80, v4, vm0, $0xb8;
	[tilespmem:$0x18100] =	vst v63  }
0x1d4: {  	v3 =	vperm.xlane v3, v2;
	s23 =	simm.s32 $0xE900  }
0x1d5: {  	[tilespmem:s23], [sflag:$0x2] =	stream.indirect_vreg.gather [hbm4b:s8+s3], $0x80, v4, vm0, $0xb8;
	[tilespmem:$0x18100] =	vst v63  }
0x1d6: {  	v3 =	vadd.s32 v1, v3;
	s23 =	simm.s32 $0xF100  }
0x1d7: {  	[tilespmem:s23], [sflag:$0x2] =	stream.indirect_vreg.gather [hbm4b:s9+s3], $0x80, v4, vm0, $0xb8;
	[tilespmem:$0x18100] =	vst v63  }
0x1d8: {  	s23 =	simm.s32 $0xF900  }
0x1d9: {  	[tilespmem:s23], [sflag:$0x2] =	stream.indirect_vreg.gather [hbm4b:s10+s3], $0x80, v4, vm0, $0xb8;
	[tilespmem:$0x18100] =	vst v63  }
0x1da: {  	s23 =	simm.s32 $0x10100  }
0x1db: {  	[tilespmem:s23], [sflag:$0x2] =	stream.indirect_vreg.gather [hbm4b:s1+s3], $0x80, v3, vm0, $0xb8;
	[tilespmem:$0x18100] =	vst v63  }
0x1dc: {  	s23 =	simm.s32 $0x10900  }
0x1dd: {  	[tilespmem:s23], [sflag:$0x2] =	stream.indirect_vreg.gather [hbm4b:s4+s3], $0x80, v3, vm0, $0xb8;
	[tilespmem:$0x18100] =	vst v63  }
0x1de: {  	s23 =	simm.s32 $0x11100  }
0x1df: {  	[tilespmem:s23], [sflag:$0x2] =	stream.indirect_vreg.gather [hbm4b:s5+s3], $0x80, v3, vm0, $0xb8;
	[tilespmem:$0x18100] =	vst v63  }
0x1e0: {  	s23 =	simm.s32 $0x11900  }
0x1e1: {  	[tilespmem:s23], [sflag:$0x2] =	stream.indirect_vreg.gather [hbm4b:s6+s3], $0x80, v3, vm0, $0xb8;
	[tilespmem:$0x18100] =	vst v63  }
0x1e2: {  	s23 =	simm.s32 $0x12100  }
0x1e3: {  	[tilespmem:s23], [sflag:$0x2] =	stream.indirect_vreg.gather [hbm4b:s7+s3], $0x80, v3, vm0, $0xb8;
	[tilespmem:$0x18100] =	vst v63  }
0x1e4: {  	s23 =	simm.s32 $0x12900  }
0x1e5: {  	[tilespmem:s23], [sflag:$0x2] =	stream.indirect_vreg.gather [hbm4b:s8+s3], $0x80, v3, vm0, $0xb8;
	[tilespmem:$0x18100] =	vst v63  }
0x1e6: {  	s23 =	simm.s32 $0x13100  }
0x1e7: {  	[tilespmem:s23], [sflag:$0x2] =	stream.indirect_vreg.gather [hbm4b:s9+s3], $0x80, v3, vm0, $0xb8;
	[tilespmem:$0x18100] =	vst v63  }
0x1e8: {  	s23 =	simm.s32 $0x13900  }
0x1e9: {  	[tilespmem:s23], [sflag:$0x2] =	stream.indirect_vreg.gather [hbm4b:s10+s3], $0x80, v3, vm0, $0xb8;
	[tilespmem:$0x18100] =	vst v63  }
0x1ea: {  	v3 =	vld.msk [tilespmem:$0xA8], $0xff;
	_ =	sdelay $0x4  }
0x1eb: {  	v60 =	vshll.u32 v3, $0x4  }
0x1ec: {  	v3 =	vand.u32 $0x7, v3;
	v4 =	vand.u32 $0xFFFFFF80, v60  }
0x1ed: {  	v3 =	vor.u32 v3, v4  }
0x1ee: {  	v3 =	vperm.xlane v3, v0;
	_ =	sdelay $0x1  }
0x1ef: {  	v3 =	vadd.s32 v1, v3;
	_ =	sdelay $0x3  }
0x1f0: {  	s23 =	simm.s32 $0x14100  }
0x1f1: {  	[tilespmem:s23], [sflag:$0x2] =	stream.indirect_vreg.gather [hbm4b:s1+s3], $0x80, v3, vm0, $0xb8;
	[tilespmem:$0x18100] =	vst v63  }
0x1f2: {  	s23 =	simm.s32 $0x14900  }
0x1f3: {  	[tilespmem:s23], [sflag:$0x2] =	stream.indirect_vreg.gather [hbm4b:s4+s3], $0x80, v3, vm0, $0xb8;
	[tilespmem:$0x18100] =	vst v63  }
0x1f4: {  	s23 =	simm.s32 $0x15100  }
0x1f5: {  	[tilespmem:s23], [sflag:$0x2] =	stream.indirect_vreg.gather [hbm4b:s5+s3], $0x80, v3, vm0, $0xb8;
	[tilespmem:$0x18100] =	vst v63  }
0x1f6: {  	s23 =	simm.s32 $0x15900  }
0x1f7: {  	[tilespmem:s23], [sflag:$0x2] =	stream.indirect_vreg.gather [hbm4b:s6+s3], $0x80, v3, vm0, $0xb8;
	[tilespmem:$0x18100] =	vst v63  }
0x1f8: {  	s23 =	simm.s32 $0x16100  }
0x1f9: {  	[tilespmem:s23], [sflag:$0x2] =	stream.indirect_vreg.gather [hbm4b:s7+s3], $0x80, v3, vm0, $0xb8;
	[tilespmem:$0x18100] =	vst v63  }
0x1fa: {  	s23 =	simm.s32 $0x16900  }
0x1fb: {  	[tilespmem:s23], [sflag:$0x2] =	stream.indirect_vreg.gather [hbm4b:s8+s3], $0x80, v3, vm0, $0xb8;
	[tilespmem:$0x18100] =	vst v63  }
0x1fc: {  	s31 =	simm.s32 $0x17100  }
0x1fd: {  	[tilespmem:s31], [sflag:$0x2] =	stream.indirect_vreg.gather [hbm4b:s9+s3], $0x80, v3, vm0, $0xb8;
	[tilespmem:$0x18100] =	vst v63  }
0x1fe: {  	s31 =	simm.s32 $0x17900  }
0x1ff: {  	[tilespmem:s31], [sflag:$0x2] =	stream.indirect_vreg.gather [hbm4b:s10+s3], $0x80, v3, vm0, $0xb8;
	[tilespmem:$0x18100] =	vst v63  }
0x200: {  	_ =	swait.ge [sflag:s12], $0xC000  }
0x201: {  	[sflag:s12] =	ssyncset.done $0x0  }
0x202: {  	s31 =	rddreg [dreg:$0xc];
	[sflag:s12] =	ssyncadd.s32 $0xFFFF4000  }
0x203: {  	[hbm4b:s31+s3] =	stream.linear.scatter [tilespmem:s0], [sflag:$0x4], $0xC000, $0x38;
	[tilespmem:$0x18100] =	vst v63  }
0x204: {  	_ =	swait.ge [sflag:s21], $0xC000  }
0x205: {  	[sflag:s21] =	ssyncset.done $0x0  }
0x206: {  	[sflag:s21] =	ssyncadd.s32 $0xFFFF4000  }
0x207: {  	v3 =	vld [tilespmem:$0xB0];
	_ =	sdelay $0x4  }
0x208: {  	v61 =	vshll.u32 v3, $0x4  }
0x209: {  	v3 =	vand.u32 $0x7, v3;
	v4 =	vand.u32 $0xFFFFFF80, v61  }
0x20a: {  	v3 =	vor.u32 v3, v4  }
0x20b: {  	v4 =	vperm.xlane v3, v0;
	_ =	sdelay $0x1  }
0x20c: {  	v4 =	vadd.s32 v1, v4;
	_ =	sdelay $0x4  }
0x20d: {  	[tilespmem:s11], [sflag:$0x1] =	stream.indirect_vreg.gather [hbm4b:s1+s3], $0x80, v4, vm0, $0xb8;
	[tilespmem:$0x18100] =	vst v63  }
0x20e: {  	s23 =	simm.s32 $0x900  }
0x20f: {  	[tilespmem:s23], [sflag:$0x1] =	stream.indirect_vreg.gather [hbm4b:s4+s3], $0x80, v4, vm0, $0xb8;
	[tilespmem:$0x18100] =	vst v63  }
0x210: {  	s23 =	simm.s32 $0x1100  }
0x211: {  	[tilespmem:s23], [sflag:$0x1] =	stream.indirect_vreg.gather [hbm4b:s5+s3], $0x80, v4, vm0, $0xb8;
	[tilespmem:$0x18100] =	vst v63  }
0x212: {  	s23 =	simm.s32 $0x1900  }
0x213: {  	[tilespmem:s23], [sflag:$0x1] =	stream.indirect_vreg.gather [hbm4b:s6+s3], $0x80, v4, vm0, $0xb8;
	[tilespmem:$0x18100] =	vst v63  }
0x214: {  	s23 =	simm.s32 $0x2100  }
0x215: {  	[tilespmem:s23], [sflag:$0x1] =	stream.indirect_vreg.gather [hbm4b:s7+s3], $0x80, v4, vm0, $0xb8;
	[tilespmem:$0x18100] =	vst v63  }
0x216: {  	v3 =	vperm.xlane v3, v2;
	s23 =	simm.s32 $0x2900  }
0x217: {  	[tilespmem:s23], [sflag:$0x1] =	stream.indirect_vreg.gather [hbm4b:s8+s3], $0x80, v4, vm0, $0xb8;
	[tilespmem:$0x18100] =	vst v63  }
0x218: {  	v3 =	vadd.s32 v1, v3;
	s23 =	simm.s32 $0x3100  }
0x219: {  	[tilespmem:s23], [sflag:$0x1] =	stream.indirect_vreg.gather [hbm4b:s9+s3], $0x80, v4, vm0, $0xb8;
	[tilespmem:$0x18100] =	vst v63  }
0x21a: {  	s23 =	simm.s32 $0x3900  }
0x21b: {  	[tilespmem:s23], [sflag:$0x1] =	stream.indirect_vreg.gather [hbm4b:s10+s3], $0x80, v4, vm0, $0xb8;
	[tilespmem:$0x18100] =	vst v63  }
0x21c: {  	_ = 	snop  }
0x21d: {  	[tilespmem:s18], [sflag:$0x1] =	stream.indirect_vreg.gather [hbm4b:s1+s3], $0x80, v3, vm0, $0xb8;
	[tilespmem:$0x18100] =	vst v63  }
0x21e: {  	_ = 	snop  }
0x21f: {  	[tilespmem:s17], [sflag:$0x1] =	stream.indirect_vreg.gather [hbm4b:s4+s3], $0x80, v3, vm0, $0xb8;
	[tilespmem:$0x18100] =	vst v63  }
0x220: {  	s17 =	simm.s32 $0x5100  }
0x221: {  	[tilespmem:s17], [sflag:$0x1] =	stream.indirect_vreg.gather [hbm4b:s5+s3], $0x80, v3, vm0, $0xb8;
	[tilespmem:$0x18100] =	vst v63  }
0x222: {  	s18 =	simm.s32 $0x5900  }
0x223: {  	[tilespmem:s18], [sflag:$0x1] =	stream.indirect_vreg.gather [hbm4b:s6+s3], $0x80, v3, vm0, $0xb8;
	[tilespmem:$0x18100] =	vst v63  }
0x224: {  	_ = 	snop  }
0x225: {  	[tilespmem:s13], [sflag:$0x1] =	stream.indirect_vreg.gather [hbm4b:s7+s3], $0x80, v3, vm0, $0xb8;
	[tilespmem:$0x18100] =	vst v63  }
0x226: {  	_ = 	snop  }
0x227: {  	[tilespmem:s14], [sflag:$0x1] =	stream.indirect_vreg.gather [hbm4b:s8+s3], $0x80, v3, vm0, $0xb8;
	[tilespmem:$0x18100] =	vst v63  }
0x228: {  	_ = 	snop  }
0x229: {  	[tilespmem:s15], [sflag:$0x1] =	stream.indirect_vreg.gather [hbm4b:s9+s3], $0x80, v3, vm0, $0xb8;
	[tilespmem:$0x18100] =	vst v63  }
0x22a: {  	_ = 	snop  }
0x22b: {  	[tilespmem:s29], [sflag:$0x1] =	stream.indirect_vreg.gather [hbm4b:s10+s3], $0x80, v3, vm0, $0xb8;
	[tilespmem:$0x18100] =	vst v63  }
0x22c: {  	v3 =	vld.msk [tilespmem:$0xC0], $0xff;
	_ =	sdelay $0x4  }
0x22d: {  	v62 =	vshll.u32 v3, $0x4  }
0x22e: {  	v3 =	vand.u32 $0x7, v3;
	v4 =	vand.u32 $0xFFFFFF80, v62  }
0x22f: {  	v3 =	vor.u32 v3, v4  }
0x230: {  	v3 =	vperm.xlane v3, v0;
	_ =	sdelay $0x1  }
0x231: {  	v3 =	vadd.s32 v1, v3;
	_ =	sdelay $0x4  }
0x232: {  	[tilespmem:s16], [sflag:$0x1] =	stream.indirect_vreg.gather [hbm4b:s1+s3], $0x80, v3, vm0, $0xb8;
	[tilespmem:$0x18100] =	vst v63  }
0x233: {  	_ = 	snop  }
0x234: {  	[tilespmem:s19], [sflag:$0x1] =	stream.indirect_vreg.gather [hbm4b:s4+s3], $0x80, v3, vm0, $0xb8;
	[tilespmem:$0x18100] =	vst v63  }
0x235: {  	_ = 	snop  }
0x236: {  	[tilespmem:s20], [sflag:$0x1] =	stream.indirect_vreg.gather [hbm4b:s5+s3], $0x80, v3, vm0, $0xb8;
	[tilespmem:$0x18100] =	vst v63  }
0x237: {  	_ = 	snop  }
0x238: {  	[tilespmem:s24], [sflag:$0x1] =	stream.indirect_vreg.gather [hbm4b:s6+s3], $0x80, v3, vm0, $0xb8;
	[tilespmem:$0x18100] =	vst v63  }
0x239: {  	_ = 	snop  }
0x23a: {  	[tilespmem:s25], [sflag:$0x1] =	stream.indirect_vreg.gather [hbm4b:s7+s3], $0x80, v3, vm0, $0xb8;
	[tilespmem:$0x18100] =	vst v63  }
0x23b: {  	_ = 	snop  }
0x23c: {  	[tilespmem:s26], [sflag:$0x1] =	stream.indirect_vreg.gather [hbm4b:s8+s3], $0x80, v3, vm0, $0xb8;
	[tilespmem:$0x18100] =	vst v63  }
0x23d: {  	_ = 	snop  }
0x23e: {  	[tilespmem:s28], [sflag:$0x1] =	stream.indirect_vreg.gather [hbm4b:s9+s3], $0x80, v3, vm0, $0xb8;
	[tilespmem:$0x18100] =	vst v63  }
0x23f: {  	_ = 	snop  }
0x240: {  	[tilespmem:s30], [sflag:$0x1] =	stream.indirect_vreg.gather [hbm4b:s10+s3], $0x80, v3, vm0, $0xb8;
	[tilespmem:$0x18100] =	vst v63  }
0x241: {  	s0 =	rddreg [dreg:$0xf];
	_ =	swait.ge [sflag:s2], $0xC000  }
0x242: {  	[sflag:s2] =	ssyncset.done $0x0  }
0x243: {  	s11 =	simm.s32 $0x100;
	s19 =	rddreg [dreg:$0xd];
	[sflag:s2] =	ssyncadd.s32 $0xFFFF4000  }
0x244: {  	[hbm4b:s19+s3] =	stream.linear.scatter [tilespmem:s11], [sflag:$0x3], $0xC000, $0x38;
	[tilespmem:$0x18100] =	vst v63  }
0x245: {  	_ =	swait.ge [sflag:s22], $0xC000  }
0x246: {  	[sflag:s22] =	ssyncset.done $0x0  }
0x247: {  	[sflag:s22] =	ssyncadd.s32 $0xFFFF4000  }
0x248: {  	v3 =	vld.msk [tilespmem:$0xC8], $0xff;
	_ =	sdelay $0x4  }
0x249: {  	v63 =	vshll.u32 v3, $0x4  }
0x24a: {  	v3 =	vand.u32 $0x7, v3;
	v4 =	vand.u32 $0xFFFFFF80, v63  }
0x24b: {  	v3 =	vor.u32 v3, v4  }
0x24c: {  	v3 =	vperm.xlane v3, v0;
	_ =	sdelay $0x1  }
0x24d: {  	v3 =	vadd.s32 v1, v3;
	_ =	sdelay $0x3  }
0x24e: {  	s31 =	simm.s32 $0xC100  }
0x24f: {  	[tilespmem:s31], [sflag:$0x2] =	stream.indirect_vreg.gather [hbm4b:s1+s3], $0x80, v3, vm0, $0xb8;
	[tilespmem:$0x18100] =	vst v63  }
0x250: {  	s20 =	simm.s32 $0xC900  }
0x251: {  	[tilespmem:s20], [sflag:$0x2] =	stream.indirect_vreg.gather [hbm4b:s4+s3], $0x80, v3, vm0, $0xb8;
	[tilespmem:$0x18100] =	vst v63  }
0x252: {  	s23 =	simm.s32 $0xD100  }
0x253: {  	[tilespmem:s23], [sflag:$0x2] =	stream.indirect_vreg.gather [hbm4b:s5+s3], $0x80, v3, vm0, $0xb8;
	[tilespmem:$0x18100] =	vst v63  }
0x254: {  	s24 =	simm.s32 $0xD900  }
0x255: {  	[tilespmem:s24], [sflag:$0x2] =	stream.indirect_vreg.gather [hbm4b:s6+s3], $0x80, v3, vm0, $0xb8;
	[tilespmem:$0x18100] =	vst v63  }
0x256: {  	s25 =	simm.s32 $0xE100  }
0x257: {  	[tilespmem:s25], [sflag:$0x2] =	stream.indirect_vreg.gather [hbm4b:s7+s3], $0x80, v3, vm0, $0xb8;
	[tilespmem:$0x18100] =	vst v63  }
0x258: {  	s26 =	simm.s32 $0xE900  }
0x259: {  	[tilespmem:s26], [sflag:$0x2] =	stream.indirect_vreg.gather [hbm4b:s8+s3], $0x80, v3, vm0, $0xb8;
	[tilespmem:$0x18100] =	vst v63  }
0x25a: {  	s28 =	simm.s32 $0xF100  }
0x25b: {  	[tilespmem:s28], [sflag:$0x2] =	stream.indirect_vreg.gather [hbm4b:s9+s3], $0x80, v3, vm0, $0xb8;
	[tilespmem:$0x18100] =	vst v63  }
0x25c: {  	s29 =	simm.s32 $0xF900  }
0x25d: {  	[tilespmem:s29], [sflag:$0x2] =	stream.indirect_vreg.gather [hbm4b:s10+s3], $0x80, v3, vm0, $0xb8;
	[tilespmem:$0x18100] =	vst v63  }
0x25e: {  	_ =	swait.ge [sflag:s12], $0x4000  }
0x25f: {  	[sflag:s12] =	ssyncset.done $0x0  }
0x260: {  	s30 =	rddreg [dreg:$0xe];
	[sflag:s12] =	ssyncadd.s32 $0xFFFFC000  }
0x261: {  	[hbm4b:s30+s3] =	stream.linear.scatter [tilespmem:s31], [sflag:$0x4], $0x4000, $0x38;
	[tilespmem:$0x18100] =	vst v63  }
0x262: {  	p0 =	sne.s32 s0, $0x1;
	_ =	swait.ge [sflag:s21], $0xC000  }
.Ltmp0:
0x263: {  	[sflag:s21] =	ssyncset.done $0x0;
	(pc) =	sbr.rel @p0 .LBB2_1-.Ltmp0, $4  }
0x264: {  	[sflag:s21] =	ssyncadd.s32 $0xFFFF4000  }
0x265: {  	_ =	swait.ge [sflag:s22], $0x4000  }
0x266: {  	[sflag:s22] =	ssyncset.done $0x0  }
0x267: {  	s0 =	sadd.s32 $0xFFFFFFFF, s0;
	[sflag:s22] =	ssyncadd.s32 $0xFFFFC000  }
0x268: {  	_ =	sfence.sel $0x180000  }
0x269: {  	[bflag:$0x0] =	sbarrier.arrive $0xFFFF  }
0x26a: {  	_ =	strace $0x90000047  }
0x26b: {  	s0 =	stileid.u32;
	[bflag:$0x2] =	sbarrier.arrive $0xFFFF  }
0x26c: {  	p0 =	sne.s32 s0, $0x0;
	s0 =	rddreg [dreg:$0x3]  }
0x26d: {  	s0 =	sadd.s32 @!p0 $0x100000, s0  }
0x26e: {  	[sflag:s0] =	ssyncadd.tile.s32 @!p0 $0x1;
	_ =	shalt  }
.Lfunc_end2:
_tile_overlayer_lowered:
.L_overlay_start_2:
0x26f: {  	(tag) =	ssettag $0x2  }
0x270: {  	s0 =	rddreg [dreg:$0x0];
	s2 =	stileid.u32  }
0x271: {  	s1 =	rddreg [dreg:$0x1];
	p0 =	sne.s32 s2, $0x0  }
0x272: {  	s3 =	rddreg [dreg:$0x2];
	[bflag:$0x3] =	sbarrier.arrive $0xFFFF;
	s2 =	simm.s32 @!p0 $0x1C05  }
0x273: {  	[timem:s3], [sflag:s2] =	dma.local @!p0 [hbm:s0], s1  }
0x274: {  	s0 =	simm.s32 @!p0 $0x5  }
0x275: {  	_ =	swait.ge @!p0 [sflag:s0], s1  }
0x276: {  	s1 =	ssub.s32 @!p0 $0x0, s1;
	[sflag:s0] =	ssyncset.done @!p0 $0x0  }
0x277: {  	[sflag:s0] =	ssyncadd.s32 @!p0 s1  }
0x278: {  	[bflag:$0x3] =	sbarrier.arrive $0xFFFF  }
0x279: {  	_ =	shalt  }

// kernel: sparse-core-data-format-call.cloned.1.call-start
scs
called_computation_lowered:
.L_overlay_start_0:
0x0: {  	s2 =	sld [smem:$0x3FD9]  }
0x1: {  	s3 =	sld [smem:$0x3FFE];
	_ =	sdelay $0x1  }
0x2: {  	s1 =	srdreg.scid  }
0x3: {  	s0 =	sand.u32 $0x1, s1  }
0x4: {  	s15 =	sshll.u32 s0, $0xA;
	s2 =	sadd.s32 s3, s2  }
0x5: {  	s2 =	sadd.s32 s2, s15  }
0x6: {  	[smem:$0x3FC0] =	sst s2  }
0x7: {  	_ = 	snop  }
0x8: {  	s2 =	sld [smem:$0x3FD0];
	_ =	sdelay $0x2  }
0x9: {  	s16 =	simm.s32 $0xA;
	s4 =	simm.s32 $0x10  }
0xa: {  	[smem:s4], [sflag:s16] =	dma.local [hbm:s2], $0x1  }
0xb: {  	_ =	swait.eq [sflag:s16], $0x1  }
0xc: {  	[sflag:s16] =	ssyncset.done $0x0  }
0xd: {  	[sflag:s16] =	ssyncadd.s32 $0xFFFFFFFF  }
0xe: {  	s17 =	sld [smem:$0x10];
	(tm) =	ssettm $0x1  }
0xf: {  	s18 =	sld [smem:$0x3FFB];
	_ =	sdelay $0x3  }
0x10: {  	_ =	strace s18  }
0x11: {  	s3 =	sld [smem:$0x3FFC];
	_ =	sdelay $0x3  }
0x12: {  	_ =	strace s3  }
0x13: {  	s3 =	sld [smem:$0x3FFD];
	_ =	sdelay $0x3  }
0x14: {  	_ =	strace s3  }
0x15: {  	_ =	strace $0x8FFFFFFF  }
0x16: {  	s19 =	sld [smem:$0x3FDB];
	_ =	sdelay $0x1  }
0x17: {  	s20 =	simm.s32 $_scs_section_size  }
0x18: {  	s5 =	simm.s32 $_size__tile_overlayer_lowered;
	s6 =	simm.s32 $_tile_overlayer_lowered  }
0x19: {  	s23 =	simm.s32 $0x1BFF;
	s22 =	sshll.u32 s6, $0x1;
	s3 =	sadd.s32 s20, s19  }
0x1a: {  	s7 =	simm.s32 $0x0;
	s21 =	sshll.u32 s5, $0x1;
	s5 =	sadd.s32 s22, s3  }
0x1b: {  	[timem:s7], [sflag:s23] =	dma.local [hbm:s5], s21  }
0x1c: {  	_ =	swait.ge [sflag:s23], s21  }
0x1d: {  	s4 =	ssub.s32 $0x0, s21;
	[sflag:s23] =	ssyncset.done $0x0  }
0x1e: {  	[sflag:s23] =	ssyncadd.s32 s4;
	_ =	sdelay $0x1  }
0x1f: {  	s24 =	simm.s32 $0x1B8B  }
0x20: {  	_ =	swait.ge [sflag:s24], $0x1  }
0x21: {  	[sflag:s24] =	ssyncset.done $0x0  }
0x22: {  	s26 =	simm.s32 $0x1B8E;
	s25 =	sld [smem:$0x3FFE];
	[sflag:s24] =	ssyncadd.s32 $0xFFFFFFFF  }
0x23: {  	s27 =	simm.s32 $execute0_lowered;
	[smem:$0x3FD2] =	sst s26  }
0x24: {  	s5 =	sshll.u32 s27, $0x1;
	_ =	strace $0x80000049;
	[dreg:$0x1] =	wrdreg $0xFFFFFFFF  }
0x25: {  	s28 =	simm.s32 $_size_execute0_lowered;
	s3 =	sadd.s32 s3, s5;
	[dreg:$0x0] =	wrdreg $0x0  }
0x26: {  	s5 =	sshll.u32 s28, $0x1;
	[dreg:$0x2] =	wrdreg s3  }
0x27: {  	[dreg:$0x3] =	wrdreg s5  }
0x28: {  	[dreg:$0x4] =	wrdreg $0xC0  }
0x29: {  	_ =	task [dreg:s7], $0x5FFFF  }
0x2a: {  	[dreg:$0x1] =	wrdreg $0xFFFFFFFF  }
0x2b: {  	[dreg:$0x0] =	wrdreg $0x60  }
0x2c: {  	[dreg:$0x2] =	wrdreg s25  }
0x2d: {  	[dreg:$0x3] =	wrdreg s17  }
0x2e: {  	[dreg:$0x4] =	wrdreg $0x9  }
0x2f: {  	_ =	task.clear_ibuf [dreg:s7], $0x5FFFF;
	_ =	strace $0x90000049  }
0x30: {  	s29 =	simm.s32 $0x9;
	_ =	strace $0x8000004B  }
0x31: {  	_ =	swait.ge [sflag:s29], $0x1  }
0x32: {  	[sflag:s29] =	ssyncadd.s32 $0xFFFFFFFF  }
0x33: {  	_ =	strace $0x9000004B  }
0x34: {  	_ =	sfence  }
0x35: {  	s30 =	sld [smem:$0x0];
	_ =	sdelay $0x2  }
0x36: {  	s31 =	sshll.u32 s1, $0xD;
	s1 =	sshrl.u32 s1, $0x2  }
0x37: {  	s3 =	sand.u32 $0x4000, s31;
	s1 =	sadd.s32 s1, s30  }
0x38: {  	s0 =	sor.u32 s3, s0;
	s1 =	sshll.u32 s1, $0x11  }
0x39: {  	s0 =	sor.u32 s1, s0  }
0x3a: {  	s0 =	sadd.s32 $0x8F2B, s0  }
0x3b: {  	[sflag:s0] =	ssyncadd.remote.s32 $0x1  }
0x3c: {  	_ =	sfence.sel $0xFFFF  }
0x3d: {  	[dreg:$0x0] =	wrdreg $0xFFFFFFFF;
	(pc) =	sbr.abs _section_cstart, $3  }
0x3e: {  	[dreg:$0x1] =	wrdreg $0xFFFFFFFF  }
0x3f: {  	_ =	task.clear_ibuf [dreg:s7], $0x2FFFF;
	_ =	strace $0x9FFFFFFF  }
0x40: {  	(tm) =	ssettm $0x7FFFFFFF  }
0x41: {  	_ =	shalt  }
tec
execute0_lowered:
.L_overlay_start_1:
0x0: {  	(tag) =	ssettag $0x1  }
0x1: {  	s0 =	stileid.u32  }
0x2: {  	s1 =	srdreg.scid;
	s7 =	rddreg [dreg:$0x0]  }
0x3: {  	s31 =	simm.s32 $0x2;
	s16 =	simm.s32 $0x0;
	s11 =	simm.s32 $0x400  }
0x4: {  	s12 =	simm.s32 $0x4000;
	s17 =	simm.s32 $0x0;
	s18 =	simm.s32 $0x0  }
0x5: {  	s14 =	simm.s32 $0x0;
	s2 =	sshll.u32 s0, $0x6;
	s1 =	sshll.u32 s1, $0xA  }
0x6: {  	s15 =	simm.s32 $0x0;
	s3 =	sshll.u32 s0, $0x1;
	s1 =	sor.u32 s2, s1  }
0x7: {  	s7 =	sadd.s32 $0xE00, s7;
	s3 =	sand.u32 $0x2, s3;
	s4 =	sand.u32 $0x780, s1  }
0x8: {  	s2 =	rddreg [dreg:$0x1];
	s5 =	ssub.s32 $0x64, s3;
	s6 =	ssub.s32 $0x800, s4  }
0x9: {  	s8 =	sshrl.u32 s5, $0x2;
	s5 =	sshrl.u32 s5, $0x1;
	s9 =	sand.u32 $0x780, s6  }
0xa: {  	s10 =	sand.u32 $0x1, s5;
	p0 =	sne.s32 s9, $0x0;
	s9 =	simm.s32 $0x1  }
.Ltmp0:
0xb: {  	s6 =	sshrl.u32 s6, $0xB;
	s9 =	simm.s32 @!p0 $0x0;
	(pc) =	sbr.rel .LBB1_1-.Ltmp0, $4  }
0xc: {  	s1 =	rddreg [dreg:$0x2];
	s8 =	sadd.s32 s8, s10;
	s6 =	sadd.s32 s9, s6  }
0xd: {  	_ =	strace $0x8000004A;
	s5 =	simm.s32 $0x1;
	s6 =	smul.u32 s8, s6  }
0xe: {  	s13 =	smov.u32 s3;
	[sflag:s5] =	ssyncpa.u1 $0x0;
	s8 =	sshll.u32 s4, $0x3  }
0xf: {  	[sflag:s31] =	ssyncpa.u1 $0x0;
	s9 =	sand.u32 $0x400, s8;
	s10 =	sadd.s32 $0x1, s6  }
.LBB1_7:
0x10: {  	s19 =	sadd.s32 $0x4, s13  }
0x11: {  	s17 =	sadd.s32 $0x40, s14;
	s20 =	smov.u32 s14;
	p1 =	sgt.s32 s19, $0x63  }
0x12: {  	s20 =	smov.u32 @p1 s17  }
0x13: {  	s19 =	smov.u32 @p1 s3;
	p1 =	sgt.s32 s20, $0x3F  }
0x14: {  	s20 =	simm.s32 @p1 $0x0;
	p1 =	sne.s32 s15, s10  }
.Ltmp1:
0x15: {  	p0 =	slt.u32 s15, $0x2;
	(pc) =	sbr.rel @!p1 .LBB1_8-.Ltmp1, $4  }
0x16: {  	s16 =	simm.s32 @!p0 $0x2  }
0x17: {  	s18 =	smov.u32 s14;
	_ =	swait.ge @!p0 [sflag:s16], $0x4000;
	s17 =	smov.u32 s13  }
0x18: {  	[sflag:s16] =	ssyncset.done @!p0 $0x0;
	s13 =	smov.u32 s19;
	s15 =	sadd.s32 $0x1, s15  }
0x19: {  	[sflag:s16] =	ssyncadd.s32 @!p0 $0xFFFFC000;
	s16 =	smov.u32 s4;
	s14 =	smov.u32 s20  }
.LBB1_1:
0x1a: {  	p0 =	sge.u32 s15, s6  }
0x1b: {  	s19 =	sshll.u32 @!p0 s13, $0xB  }
0x1c: {  	s19 =	sand.u32 @!p0 $0xFFFFC000, s19  }
0x1d: {  	s19 =	sor.u32 @!p0 s8, s19  }
0x1e: {  	s19 =	sshrl.u32 @!p0 s19, $0xB  }
0x1f: {  	s21 =	sshll.u32 @!p0 s13, $0x7;
	s20 =	smulhi.u32 @!p0 $0x2762763, s19  }
0x20: {  	s22 =	smul.u32 @!p0 $0x6800, s14;
	s21 =	sand.u32 @!p0 $0x380, s21  }
0x21: {  	s21 =	sor.u32 @!p0 s9, s21;
	s20 =	smul.u32 @!p0 $0x68, s20  }
0x22: {  	s31 =	sadd.s32 $0xFFFFFFFF, s15;
	s22 =	sadd.s32 @!p0 s7, s22;
	s21 =	sshrl.u32 @!p0 s21, $0x3  }
0x23: {  	s21 =	sadd.s32 @!p0 s21, s22;
	s19 =	ssub.s32 @!p0 s19, s20;
	s20 =	sxor.u32 @!p0 $0xFFFFFFFF, s15  }
0x24: {  	s22 =	simm.s32 @!p0 $0x34000;
	s20 =	sshll.u32 @!p0 s20, $0xE;
	s19 =	sshll.u32 @!p0 s19, $0x8  }
0x25: {  	s20 =	sand.u32 @!p0 $0x4000, s20;
	s19 =	sadd.s32 @!p0 s19, s21;
	s21 =	simm.s32 @!p0 $0x100  }
0x26: {  	[tilespmem:s20], [sflag:$0x1] =	stream.strided.gather @!p0 [hbm4b:s19+s21], $0x4000, s22, s21, $0x38;
	[tilespmem:$0x10000] =	vst v63  }
0x27: {  	p0 =	sge.u32 s31, s6  }
.Ltmp2:
0x28: {  	_ = 	snop;
	(pc) =	sbr.rel @p0 .LBB1_7-.Ltmp2, $1  }
0x29: {  	_ =	sdelay $0x3  }
0x2a: {  	_ =	swait.ge [sflag:s5], $0x4000;
	s19 =	sshll.u32 s15, $0xE  }
0x2b: {  	[sflag:s5] =	ssyncset.done $0x0;
	s20 =	sand.u32 $0x4000, s19  }
0x2c: {  	s21 =	simm.s32 $0x0;
	[sflag:s5] =	ssyncadd.s32 $0xFFFFC000;
	s19 =	sor.u32 $0x8000, s20  }
.LBB1_3:
0x2d: {  	s22 =	sshll.u32 s21, $0x8  }
0x2e: {  	s22 =	sand.u32 $0x3FFFFF00, s22  }
0x2f: {  	s23 =	sshll.u32 s21, $0x7;
	s22 =	sadd.s32 s22, s20  }
0x30: {  	s23 =	sand.u32 $0x3FFFFF80, s23;
	v0 =	vmov s22  }
0x31: {  	s23 =	sadd.s32 s23, s19  }
0x32: {  	p0 =	por $0x1, $0x1;
	v1 =	vmov s23;
	s22 =	simm.s32 $0x0  }
.LBB1_4:
0x33: {  	s23 =	sshll.u32 s22, $0x7  }
0x34: {  	s23 =	sand.u32 $0x3FFFFF80, s23  }
0x35: {  	v2 =	vld.idx.msk [tilespmem:v0+s23+$0x0 ss:$0x1], $0xffff  }
0x36: {  	v3 =	vld.idx.msk [tilespmem:v0+s23+$0x10 ss:$0x1], $0xffff  }
0x37: {  	v4 =	vld.idx.msk [tilespmem:v0+s23+$0x20 ss:$0x1], $0xffff  }
0x38: {  	s31 =	sshll.u32 s22, $0xD;
	v5 =	vld.idx.msk [tilespmem:v0+s23+$0x30 ss:$0x1], $0xffff  }
0x39: {  	s22 =	sand.u32 $0x3FFFE000, s31;
	v6 =	vld.idx.msk [tilespmem:v0+s23+$0x40 ss:$0x1], $0xffff  }
0x3a: {  	v63 =	vld.idx.msk [tilespmem:v0+s23+$0x70 ss:$0x1], $0xffff;
	[tilespmem:v1+s22+$0x0 ss:$0x1] =	vst.idx.msk $0xffff, v2  }
0x3b: {  	v2 =	vld.idx.msk [tilespmem:v0+s23+$0x50 ss:$0x1], $0xffff;
	[tilespmem:v1+s22+$0x10 ss:$0x1] =	vst.idx.msk $0xffff, v3  }
0x3c: {  	p1 =	por p0, p0;
	v3 =	vld.idx.msk [tilespmem:v0+s23+$0x60 ss:$0x1], $0xffff;
	[tilespmem:v1+s22+$0x20 ss:$0x1] =	vst.idx.msk $0xffff, v4  }
.Ltmp3:
0x3d: {  	[tilespmem:v1+s22+$0x30 ss:$0x1] =	vst.idx.msk $0xffff, v5;
	(pc) =	sbr.rel @p1 .LBB1_4-.Ltmp3, $4  }
0x3e: {  	[tilespmem:v1+s22+$0x40 ss:$0x1] =	vst.idx.msk $0xffff, v6  }
0x3f: {  	[tilespmem:v1+s22+$0x70 ss:$0x1] =	vst.idx.msk $0xffff, v63  }
0x40: {  	[tilespmem:v1+s22+$0x50 ss:$0x1] =	vst.idx.msk $0xffff, v2  }
0x41: {  	p0 =	por $0x0, $0x0;
	[tilespmem:v1+s22+$0x60 ss:$0x1] =	vst.idx.msk $0xffff, v3;
	s22 =	simm.s32 $0x1  }
0x42: {  	s21 =	sadd.s32 $0x1, s21  }
0x43: {  	p0 =	sne.s32 s21, $0x40  }
.Ltmp4:
0x44: {  	_ = 	snop;
	(pc) =	sbr.rel @p0 .LBB1_3-.Ltmp4, $1  }
0x45: {  	_ =	sdelay $0x3  }
0x46: {  	s20 =	sshll.u32 s16, $0x3;
	s21 =	sshll.u32 s18, $0x7;
	s29 =	sshll.u32 s18, $0x8  }
0x47: {  	s17 =	sshll.u32 s17, $0xE;
	s30 =	sand.u32 $0x700, s16;
	s21 =	sand.u32 $0x380, s21  }
.Ltmp5:
0x48: {  	s20 =	sand.u32 $0x400, s20;
	s18 =	sand.u32 $0x3800, s29;
	(pc) =	sbr.rel .LBB1_7-.Ltmp5, $4  }
0x49: {  	s17 =	sadd.s32 s2, s17;
	s20 =	sor.u32 s21, s20;
	s16 =	sor.u32 s30, s18  }
0x4a: {  	s31 =	sshrl.u32 s20, $0x3;
	s16 =	sadd.s32 s16, s17  }
0x4b: {  	s16 =	sadd.s32 s31, s16  }
0x4c: {  	[hbm4b:s16+s11] =	stream.strided.scatter [tilespmem:s19], [sflag:$0x2], $0x4000, s12, s11, $0x38;
	[tilespmem:$0x10000] =	vst v63  }
.LBB1_8:
0x4d: {  	_ =	sfence.sel $0x180000  }
0x4e: {  	s2 =	simm.s32 $0x1;
	[bflag:$0x0] =	sbarrier.arrive $0xFFFF  }
0x4f: {  	s31 =	simm.s32 $0x2;
	[sflag:s2] =	ssyncpa.u1 $0x1  }
0x50: {  	[sflag:s31] =	ssyncpa.u1 $0x1  }
0x51: {  	p0 =	sne.s32 s0, $0x0;
	_ =	strace $0x9000004A  }
0x52: {  	s0 =	sadd.s32 @!p0 $0x100000, s1;
	[bflag:$0x2] =	sbarrier.arrive $0xFFFF  }
0x53: {  	[sflag:s0] =	ssyncadd.tile.s32 @!p0 $0x1;
	_ =	shalt  }
.Lfunc_end1:
_tile_overlayer_lowered:
.L_overlay_start_2:
0x54: {  	(tag) =	ssettag $0x2  }
0x55: {  	s0 =	rddreg [dreg:$0x0];
	s2 =	stileid.u32  }
0x56: {  	s1 =	rddreg [dreg:$0x1];
	p0 =	sne.s32 s2, $0x0  }
0x57: {  	s3 =	rddreg [dreg:$0x2];
	[bflag:$0x3] =	sbarrier.arrive $0xFFFF;
	s2 =	simm.s32 @!p0 $0x1C01  }
0x58: {  	[timem:s3], [sflag:s2] =	dma.local @!p0 [hbm:s0], s1  }
0x59: {  	s0 =	simm.s32 @!p0 $0x1  }
0x5a: {  	_ =	swait.ge @!p0 [sflag:s0], s1  }
0x5b: {  	s1 =	ssub.s32 @!p0 $0x0, s1;
	[sflag:s0] =	ssyncset.done @!p0 $0x0  }
0x5c: {  	[sflag:s0] =	ssyncadd.s32 @!p0 s1  }
0x5d: {  	[bflag:$0x3] =	sbarrier.arrive $0xFFFF  }
0x5e: {  	_ =	shalt  }

</sc_bundles>
